<compile_context>
chip_gen: v7x
topology: tpu7x:2x2x1
jax: 0.10.2.dev20260603
libtpu: 0.0.44.dev20260713+nightly
codegen_flags: <defaults>
</compile_context>

<pallas_src>
import jax
import jax.numpy as jnp
from jax.experimental import pallas as pl
from jax.experimental.pallas import tpu as pltpu
from jax.experimental.pallas import tpu_sc as plsc


_LANES = 16
_BMR = 4


def _sc_kernel(x, pe):
    B, S, D = x.shape

    mesh = plsc.VectorSubcoreMesh(core_axis_name="core",
                                  subcore_axis_name="subcore")

    @pl.kernel(out_type=jax.ShapeDtypeStruct((B, S, D), x.dtype),
               mesh=mesh, scratch_types=[])
    def sc_add(x_hbm, pe_hbm, o_hbm):
        def body(x_vmem, pe_vmem, o_vmem):
            @pl.loop(0, _BMR)
            def _(r):
                @plsc.parallel_loop(0, D, step=_LANES, unroll=8)
                def _(c):
                    sl = (pl.ds(r, 1), pl.ds(c, _LANES))
                    p = pe_vmem.at[*sl][...]
                    for b in range(B):
                        o_vmem.at[b, *sl][...] = x_vmem.at[b, *sl][...] + p

        pltpu.emit_pipeline(
            body,
            grid=(S // _BMR,),
            in_specs=[
                pl.BlockSpec((B, _BMR, D), index_map=lambda i: (0, i, 0)),
                pl.BlockSpec((_BMR, D), index_map=lambda i: (i, 0)),
            ],
            out_specs=[pl.BlockSpec((B, _BMR, D), index_map=lambda i: (0, i, 0))],
            core_axis_name=("core", "subcore"),
            dimension_semantics=(pltpu.PARALLEL,),
        )(x_hbm, pe_hbm, o_hbm)

    return sc_add(x, pe)


def kernel(x, pe_weight):
    B, S, D = x.shape
    return _sc_kernel(x, pe_weight[:S])

# --- scband reference (transcript-rebuilt; emitter-appended) ---
"""Pipeline reference for scband-learned-positional-encoding-41944650613195 (READ-ONLY COPY).

The authoritative reference and input builder live on the scoring server;
editing this copy changes nothing except your own understanding.
"""

import jax, jax.numpy as jnp
import numpy as np

DIM_MODEL = 1024
MAX_LEN = 8192

def setup_inputs(seed: int = 0) -> dict:
    key = jax.random.key(seed)
    k1, k2 = jax.random.split(key)
    x = jax.random.normal(k1, (4, 8192, DIM_MODEL), dtype=jnp.float32)
    pe_weight = jax.random.normal(k2, (MAX_LEN, DIM_MODEL), dtype=jnp.float32) / np.sqrt(DIM_MODEL)
    return {"x": x, "pe_weight": pe_weight}

def reference(x, pe_weight):
    # pos = arange(0, S).unsqueeze(0) -> [1, S]
    seq_len = x.shape[1]
    pos = jnp.arange(0, seq_len)[None, :]  # [1, S]
    # embedding lookup: pe(pos) -> [1, S, d_model]
    pe = jnp.take(pe_weight, pos, axis=0)
    return x + pe

if __name__ == "__main__":
    import jax
    _d = setup_inputs()
    print(jax.jit(kernel)(*tuple(_d.values())))

</pallas_src>

<mosaic_0001>
#map = affine_map<(d0, d1) -> (0, 0, 0)>
#map1 = affine_map<(d0, d1) -> (0, 0)>
module attributes {stable_mosaic.version = 14 : i64} {
  func.func @sc_add(%arg0: i32, %arg1: i32, %arg2: memref<4x8192x1024xf32, #tpu.memory_space<hbm>>, %arg3: memref<8192x1024xf32, #tpu.memory_space<hbm>>, %arg4: memref<4x8192x1024xf32, #tpu.memory_space<hbm>>) attributes {dimension_semantics = [#tpu.dimension_semantics<core_parallel>, #tpu.dimension_semantics<subcore_parallel>], iteration_bounds = array<i64: 2, 16>, scalar_prefetch = 0 : i64, scratch_operands = 0 : i64, tpu.core_type = #tpu.core_type<sc_vector_subcore>, window_params = [{transform_indices = #map}, {transform_indices = #map1}, {transform_indices = #map}]} {
    %mul3A = arith.constant 1 : i32
    %mul3A_0 = arith.muli %arg1, %mul3A : i32
    %add3A = arith.constant 0 : i32
    %add3A_1 = arith.addi %add3A, %mul3A_0 : i32
    %mul3A_2 = arith.constant 16 : i32
    %mul3A_3 = arith.muli %arg0, %mul3A_2 : i32
    %add3A_4 = arith.addi %add3A_1, %mul3A_3 : i32
    %mul3A_5 = arith.constant 64 : i32
    %mul3A_6 = arith.muli %add3A_4, %mul3A_5 : i32
    "tpu.region"() ({
      %run_scoped3A = memref.alloca() : memref<2x4x4x1024xf32, #tpu.memory_space<vmem>>
      %run_scoped3A_7 = tpu.sem_alloc : memref<2x!tpu.dma_semaphore, #tpu.memory_space<semaphore_mem>>
      %run_scoped3A_8 = memref.alloca() : memref<2x4x1024xf32, #tpu.memory_space<vmem>>
      %run_scoped3A_9 = tpu.sem_alloc : memref<2x!tpu.dma_semaphore, #tpu.memory_space<semaphore_mem>>
      %run_scoped3A_10 = memref.alloca() : memref<2x4x4x1024xf32, #tpu.memory_space<vmem>>
      %run_scoped3A_11 = tpu.sem_alloc : memref<2x!tpu.dma_semaphore, #tpu.memory_space<semaphore_mem>>
      %add3A_12 = arith.constant 0 : i32
      %add3A_13 = arith.addi %add3A_12, %mul3A_6 : i32
      %select_n3A = arith.constant true
      %select_n3A_14 = arith.constant 0 : i32
      %select_n3A_15 = arith.constant -1 : i32
      %select_n3A_16 = arith.select %select_n3A, %select_n3A_15, %select_n3A_14 : i32
      %eq3A = arith.constant -1 : i32
      %eq3A_17 = arith.cmpi eq, %select_n3A_16, %eq3A : i32
      %select_n3A_18 = arith.constant 63 : i32
      %select_n3A_19 = arith.select %eq3A_17, %select_n3A_18, %select_n3A_16 : i32
      %add3A_20 = arith.addi %select_n3A_19, %mul3A_6 : i32
      %select_n3A_21 = arith.constant true
      %select_n3A_22 = arith.constant 0 : i32
      %select_n3A_23 = arith.constant 1 : i32
      %select_n3A_24 = arith.select %select_n3A_21, %select_n3A_23, %select_n3A_22 : i32
      %eq3A_25 = arith.constant 64 : i32
      %eq3A_26 = arith.cmpi eq, %select_n3A_24, %eq3A_25 : i32
      %select_n3A_27 = arith.constant 0 : i32
      %select_n3A_28 = arith.select %eq3A_26, %select_n3A_27, %select_n3A_24 : i32
      %add3A_29 = arith.addi %select_n3A_28, %mul3A_6 : i32
      %add3A_30 = arith.constant 1 : i32
      %add3A_31 = arith.addi %select_n3A_28, %add3A_30 : i32
      %select_n3A_32 = arith.constant true
      %select_n3A_33 = arith.select %select_n3A_32, %add3A_31, %select_n3A_28 : i32
      %eq3A_34 = arith.constant 64 : i32
      %eq3A_35 = arith.cmpi eq, %select_n3A_33, %eq3A_34 : i32
      %select_n3A_36 = arith.constant 0 : i32
      %select_n3A_37 = arith.select %eq3A_35, %select_n3A_36, %select_n3A_33 : i32
      %add3A_38 = arith.addi %select_n3A_37, %mul3A_6 : i32
      "tpu.trace_start"() <{level = 10 : i32, message = "ep_initialize_0"}> : () -> ()
      %rem3A = arith.constant 0 : i32
      %rem3A_39 = arith.constant 2 : i32
      %rem3A_40 = arith.remui %rem3A, %rem3A_39 : i32
      %mul3A_41 = arith.constant 4 : i32
      %mul3A_42 = arith.muli %mul3A_41, %add3A_13 : i32
      %dma_start3A = arith.constant 0 : i32
      %dma_start3A_43 = arith.constant 0 : i32
      %dma_start3A_44 = arith.constant 0 : i32
      %dma_start3A_45 = tpu.memref_slice %run_scoped3A[%rem3A_40, %dma_start3A, %dma_start3A_43, %dma_start3A_44] : memref<2x4x4x1024xf32, #tpu.memory_space<vmem>> -> memref<1x4x4x1024xf32, #tpu.memory_space<vmem>>
      %dma_start3A_46 = tpu.memref_squeeze %dma_start3A_45 : memref<1x4x4x1024xf32, #tpu.memory_space<vmem>> -> memref<4x4x1024xf32, #tpu.memory_space<vmem>>
      %dma_start3A_47 = arith.constant 0 : i32
      %dma_start3A_48 = arith.constant 0 : i32
      %dma_start3A_49 = tpu.memref_slice %arg2[%dma_start3A_47, %mul3A_42, %dma_start3A_48] : memref<4x8192x1024xf32, #tpu.memory_space<hbm>> -> memref<4x4x1024xf32, #tpu.memory_space<hbm>>
      %dma_start3A_50 = tpu.memref_slice %run_scoped3A_7[%rem3A_40] : memref<2x!tpu.dma_semaphore, #tpu.memory_space<semaphore_mem>> -> memref<1x!tpu.dma_semaphore, #tpu.memory_space<semaphore_mem>>
      %dma_start3A_51 = tpu.memref_squeeze %dma_start3A_50 : memref<1x!tpu.dma_semaphore, #tpu.memory_space<semaphore_mem>> -> memref<!tpu.dma_semaphore, #tpu.memory_space<semaphore_mem>>
      %dma_start3A_52 = arith.constant 0 : i32
      %dma_start3A_53 = arith.constant 0 : i32
      %dma_start3A_54 = arith.constant 0 : i32
      %dma_start3A_55 = tpu.memref_slice %run_scoped3A[%rem3A_40, %dma_start3A_52, %dma_start3A_53, %dma_start3A_54] : memref<2x4x4x1024xf32, #tpu.memory_space<vmem>> -> memref<1x4x4x1024xf32, #tpu.memory_space<vmem>>
      %dma_start3A_56 = tpu.memref_squeeze %dma_start3A_55 : memref<1x4x4x1024xf32, #tpu.memory_space<vmem>> -> memref<4x4x1024xf32, #tpu.memory_space<vmem>>
      %dma_start3A_57 = arith.constant 0 : i32
      %dma_start3A_58 = arith.constant 0 : i32
      %dma_start3A_59 = tpu.memref_slice %arg2[%dma_start3A_57, %mul3A_42, %dma_start3A_58] : memref<4x8192x1024xf32, #tpu.memory_space<hbm>> -> memref<4x4x1024xf32, #tpu.memory_space<hbm>>
      tpu.enqueue_dma source(%dma_start3A_59 : memref<4x4x1024xf32, #tpu.memory_space<hbm>>) target(%dma_start3A_56 : memref<4x4x1024xf32, #tpu.memory_space<vmem>>) target_semaphore(%dma_start3A_51 : memref<!tpu.dma_semaphore, #tpu.memory_space<semaphore_mem>>)
      %add3A_60 = arith.constant 0 : i32
      %add3A_61 = arith.constant 1 : i32
      %add3A_62 = arith.addi %add3A_60, %add3A_61 : i32
      %select_n3A_63 = arith.constant true
      %select_n3A_64 = arith.constant 0 : i32
      %select_n3A_65 = arith.select %select_n3A_63, %add3A_62, %select_n3A_64 : i32
      %rem3A_66 = arith.constant 0 : i32
      %rem3A_67 = arith.constant 2 : i32
      %rem3A_68 = arith.remui %rem3A_66, %rem3A_67 : i32
      %mul3A_69 = arith.constant 4 : i32
      %mul3A_70 = arith.muli %mul3A_69, %add3A_13 : i32
      %dma_start3A_71 = arith.constant 0 : i32
      %dma_start3A_72 = arith.constant 0 : i32
      %dma_start3A_73 = tpu.memref_slice %run_scoped3A_8[%rem3A_68, %dma_start3A_71, %dma_start3A_72] : memref<2x4x1024xf32, #tpu.memory_space<vmem>> -> memref<1x4x1024xf32, #tpu.memory_space<vmem>>
      %dma_start3A_74 = tpu.memref_squeeze %dma_start3A_73 : memref<1x4x1024xf32, #tpu.memory_space<vmem>> -> memref<4x1024xf32, #tpu.memory_space<vmem>>
      %dma_start3A_75 = arith.constant 0 : i32
      %dma_start3A_76 = tpu.memref_slice %arg3[%mul3A_70, %dma_start3A_75] : memref<8192x1024xf32, #tpu.memory_space<hbm>> -> memref<4x1024xf32, #tpu.memory_space<hbm>>
      %dma_start3A_77 = tpu.memref_slice %run_scoped3A_9[%rem3A_68] : memref<2x!tpu.dma_semaphore, #tpu.memory_space<semaphore_mem>> -> memref<1x!tpu.dma_semaphore, #tpu.memory_space<semaphore_mem>>
      %dma_start3A_78 = tpu.memref_squeeze %dma_start3A_77 : memref<1x!tpu.dma_semaphore, #tpu.memory_space<semaphore_mem>> -> memref<!tpu.dma_semaphore, #tpu.memory_space<semaphore_mem>>
      %dma_start3A_79 = arith.constant 0 : i32
      %dma_start3A_80 = arith.constant 0 : i32
      %dma_start3A_81 = tpu.memref_slice %run_scoped3A_8[%rem3A_68, %dma_start3A_79, %dma_start3A_80] : memref<2x4x1024xf32, #tpu.memory_space<vmem>> -> memref<1x4x1024xf32, #tpu.memory_space<vmem>>
      %dma_start3A_82 = tpu.memref_squeeze %dma_start3A_81 : memref<1x4x1024xf32, #tpu.memory_space<vmem>> -> memref<4x1024xf32, #tpu.memory_space<vmem>>
      %dma_start3A_83 = arith.constant 0 : i32
      %dma_start3A_84 = tpu.memref_slice %arg3[%mul3A_70, %dma_start3A_83] : memref<8192x1024xf32, #tpu.memory_space<hbm>> -> memref<4x1024xf32, #tpu.memory_space<hbm>>
      tpu.enqueue_dma source(%dma_start3A_84 : memref<4x1024xf32, #tpu.memory_space<hbm>>) target(%dma_start3A_82 : memref<4x1024xf32, #tpu.memory_space<vmem>>) target_semaphore(%dma_start3A_78 : memref<!tpu.dma_semaphore, #tpu.memory_space<semaphore_mem>>)
      %add3A_85 = arith.constant 0 : i32
      %add3A_86 = arith.constant 1 : i32
      %add3A_87 = arith.addi %add3A_85, %add3A_86 : i32
      %select_n3A_88 = arith.constant true
      %select_n3A_89 = arith.constant 0 : i32
      %select_n3A_90 = arith.select %select_n3A_88, %add3A_87, %select_n3A_89 : i32
      "tpu.trace_stop"() : () -> ()
      %scan3A = arith.constant 0 : i32
      %scan3A_91 = arith.constant 0 : i32
      %scan3A_92 = arith.constant 0 : i32
      %scan3A_93 = arith.constant 0 : i32
      %scan3A_94 = arith.constant 0 : i32
      %scan3A_95 = arith.constant 0 : i32
      %scan3A_96 = arith.constant 64 : i32
      %scan3A_97 = arith.addi %scan3A_95, %scan3A_96 : i32
      %scan3A_98 = arith.constant 1 : i32
      %scan3A_99:7 = scf.for %scan3A_157 = %scan3A_95 to %scan3A_97 step %scan3A_98 iter_args(%scan3A_158 = %select_n3A_65, %scan3A_159 = %scan3A, %scan3A_160 = %select_n3A_90, %scan3A_161 = %scan3A_91, %scan3A_162 = %scan3A_92, %scan3A_163 = %scan3A_93, %scan3A_164 = %scan3A_94) -> (i32, i32, i32, i32, i32, i32, i32)  : i32 {
        %eq3A_165 = arith.constant 0 : i32
        %eq3A_166 = arith.cmpi eq, %scan3A_157, %eq3A_165 : i32
        %eq3A_167 = arith.constant 63 : i32
        %eq3A_168 = arith.cmpi eq, %scan3A_157, %eq3A_167 : i32
        %add3A_169 = arith.addi %scan3A_164, %mul3A_6 : i32
        %sub3A_170 = arith.constant 1 : i32
        %sub3A_171 = arith.subi %scan3A_164, %sub3A_170 : i32
        %select_n3A_172 = arith.constant true
        %select_n3A_173 = arith.select %select_n3A_172, %sub3A_171, %scan3A_164 : i32
        %eq3A_174 = arith.constant -1 : i32
        %eq3A_175 = arith.cmpi eq, %select_n3A_173, %eq3A_174 : i32
        %select_n3A_176 = arith.constant 63 : i32
        %select_n3A_177 = arith.select %eq3A_175, %select_n3A_176, %select_n3A_173 : i32
        %add3A_178 = arith.addi %select_n3A_177, %mul3A_6 : i32
        %add3A_179 = arith.constant 1 : i32
        %add3A_180 = arith.addi %scan3A_164, %add3A_179 : i32
        %select_n3A_181 = arith.constant true
        %select_n3A_182 = arith.select %select_n3A_181, %add3A_180, %scan3A_164 : i32
        %eq3A_183 = arith.constant 64 : i32
        %eq3A_184 = arith.cmpi eq, %select_n3A_182, %eq3A_183 : i32
        %select_n3A_185 = arith.constant 0 : i32
        %select_n3A_186 = arith.select %eq3A_184, %select_n3A_185, %select_n3A_182 : i32
        %add3A_187 = arith.addi %select_n3A_186, %mul3A_6 : i32
        %add3A_188 = arith.constant 1 : i32
        %add3A_189 = arith.addi %select_n3A_186, %add3A_188 : i32
        %select_n3A_190 = arith.constant true
        %select_n3A_191 = arith.select %select_n3A_190, %add3A_189, %select_n3A_186 : i32
        %eq3A_192 = arith.constant 64 : i32
        %eq3A_193 = arith.cmpi eq, %select_n3A_191, %eq3A_192 : i32
        %select_n3A_194 = arith.constant 0 : i32
        %select_n3A_195 = arith.select %eq3A_193, %select_n3A_194, %select_n3A_191 : i32
        %add3A_196 = arith.addi %select_n3A_195, %mul3A_6 : i32
        %ne3A = arith.cmpi ne, %add3A_169, %add3A_187 : i32
        %or3A = arith.constant false
        %or3A_197 = arith.ori %or3A, %ne3A : i1
        %or3A_198 = arith.constant false
        %or3A_199 = arith.ori %or3A_197, %or3A_198 : i1
        %ge3A = arith.constant 63 : i32
        %ge3A_200 = arith.cmpi sge, %scan3A_157, %ge3A : i32
        %not3A = arith.constant true
        %not3A_201 = arith.xori %ge3A_200, %not3A : i1
        %and3A = arith.andi %or3A_199, %not3A_201 : i1
        %convert_element_type3A = arith.extui %and3A : i1 to i32
        %cond3A = arith.constant 0 : i32
        %cond3A_202 = arith.cmpi ne, %convert_element_type3A, %cond3A : i32
        scf.if %cond3A_202 {
          "tpu.trace_start"() <{level = 10 : i32, message = "ep_copy_in"}> : () -> ()
          %rem3A_378 = arith.constant 2 : i32
          %rem3A_379 = arith.remui %scan3A_158, %rem3A_378 : i32
          %mul3A_380 = arith.constant 4 : i32
          %mul3A_381 = arith.muli %mul3A_380, %add3A_187 : i32
          %dma_start3A_382 = arith.constant 0 : i32
          %dma_start3A_383 = arith.constant 0 : i32
          %dma_start3A_384 = arith.constant 0 : i32
          %dma_start3A_385 = tpu.memref_slice %run_scoped3A[%rem3A_379, %dma_start3A_382, %dma_start3A_383, %dma_start3A_384] : memref<2x4x4x1024xf32, #tpu.memory_space<vmem>> -> memref<1x4x4x1024xf32, #tpu.memory_space<vmem>>
          %dma_start3A_386 = tpu.memref_squeeze %dma_start3A_385 : memref<1x4x4x1024xf32, #tpu.memory_space<vmem>> -> memref<4x4x1024xf32, #tpu.memory_space<vmem>>
          %dma_start3A_387 = arith.constant 0 : i32
          %dma_start3A_388 = arith.constant 0 : i32
          %dma_start3A_389 = tpu.memref_slice %arg2[%dma_start3A_387, %mul3A_381, %dma_start3A_388] : memref<4x8192x1024xf32, #tpu.memory_space<hbm>> -> memref<4x4x1024xf32, #tpu.memory_space<hbm>>
          %dma_start3A_390 = tpu.memref_slice %run_scoped3A_7[%rem3A_379] : memref<2x!tpu.dma_semaphore, #tpu.memory_space<semaphore_mem>> -> memref<1x!tpu.dma_semaphore, #tpu.memory_space<semaphore_mem>>
          %dma_start3A_391 = tpu.memref_squeeze %dma_start3A_390 : memref<1x!tpu.dma_semaphore, #tpu.memory_space<semaphore_mem>> -> memref<!tpu.dma_semaphore, #tpu.memory_space<semaphore_mem>>
          %dma_start3A_392 = arith.constant 0 : i32
          %dma_start3A_393 = arith.constant 0 : i32
          %dma_start3A_394 = arith.constant 0 : i32
          %dma_start3A_395 = tpu.memref_slice %run_scoped3A[%rem3A_379, %dma_start3A_392, %dma_start3A_393, %dma_start3A_394] : memref<2x4x4x1024xf32, #tpu.memory_space<vmem>> -> memref<1x4x4x1024xf32, #tpu.memory_space<vmem>>
          %dma_start3A_396 = tpu.memref_squeeze %dma_start3A_395 : memref<1x4x4x1024xf32, #tpu.memory_space<vmem>> -> memref<4x4x1024xf32, #tpu.memory_space<vmem>>
          %dma_start3A_397 = arith.constant 0 : i32
          %dma_start3A_398 = arith.constant 0 : i32
          %dma_start3A_399 = tpu.memref_slice %arg2[%dma_start3A_397, %mul3A_381, %dma_start3A_398] : memref<4x8192x1024xf32, #tpu.memory_space<hbm>> -> memref<4x4x1024xf32, #tpu.memory_space<hbm>>
          tpu.enqueue_dma source(%dma_start3A_399 : memref<4x4x1024xf32, #tpu.memory_space<hbm>>) target(%dma_start3A_396 : memref<4x4x1024xf32, #tpu.memory_space<vmem>>) target_semaphore(%dma_start3A_391 : memref<!tpu.dma_semaphore, #tpu.memory_space<semaphore_mem>>)
          "tpu.trace_stop"() : () -> ()
        } else {
        }
        %and3A_203 = arith.constant true
        %and3A_204 = arith.andi %and3A, %and3A_203 : i1
        %add3A_205 = arith.constant 1 : i32
        %add3A_206 = arith.addi %scan3A_158, %add3A_205 : i32
        %select_n3A_207 = arith.select %and3A_204, %add3A_206, %scan3A_158 : i32
        %ne3A_208 = arith.cmpi ne, %add3A_169, %add3A_187 : i32
        %or3A_209 = arith.constant false
        %or3A_210 = arith.ori %or3A_209, %ne3A_208 : i1
        %or3A_211 = arith.constant false
        %or3A_212 = arith.ori %or3A_210, %or3A_211 : i1
        %ge3A_213 = arith.constant 63 : i32
        %ge3A_214 = arith.cmpi sge, %scan3A_157, %ge3A_213 : i32
        %not3A_215 = arith.constant true
        %not3A_216 = arith.xori %ge3A_214, %not3A_215 : i1
        %and3A_217 = arith.andi %or3A_212, %not3A_216 : i1
        %convert_element_type3A_218 = arith.extui %and3A_217 : i1 to i32
        %cond3A_219 = arith.constant 0 : i32
        %cond3A_220 = arith.cmpi ne, %convert_element_type3A_218, %cond3A_219 : i32
        scf.if %cond3A_220 {
          "tpu.trace_start"() <{level = 10 : i32, message = "ep_copy_in"}> : () -> ()
          %rem3A_378 = arith.constant 2 : i32
          %rem3A_379 = arith.remui %scan3A_160, %rem3A_378 : i32
          %mul3A_380 = arith.constant 4 : i32
          %mul3A_381 = arith.muli %mul3A_380, %add3A_187 : i32
          %dma_start3A_382 = arith.constant 0 : i32
          %dma_start3A_383 = arith.constant 0 : i32
          %dma_start3A_384 = tpu.memref_slice %run_scoped3A_8[%rem3A_379, %dma_start3A_382, %dma_start3A_383] : memref<2x4x1024xf32, #tpu.memory_space<vmem>> -> memref<1x4x1024xf32, #tpu.memory_space<vmem>>
          %dma_start3A_385 = tpu.memref_squeeze %dma_start3A_384 : memref<1x4x1024xf32, #tpu.memory_space<vmem>> -> memref<4x1024xf32, #tpu.memory_space<vmem>>
          %dma_start3A_386 = arith.constant 0 : i32
          %dma_start3A_387 = tpu.memref_slice %arg3[%mul3A_381, %dma_start3A_386] : memref<8192x1024xf32, #tpu.memory_space<hbm>> -> memref<4x1024xf32, #tpu.memory_space<hbm>>
          %dma_start3A_388 = tpu.memref_slice %run_scoped3A_9[%rem3A_379] : memref<2x!tpu.dma_semaphore, #tpu.memory_space<semaphore_mem>> -> memref<1x!tpu.dma_semaphore, #tpu.memory_space<semaphore_mem>>
          %dma_start3A_389 = tpu.memref_squeeze %dma_start3A_388 : memref<1x!tpu.dma_semaphore, #tpu.memory_space<semaphore_mem>> -> memref<!tpu.dma_semaphore, #tpu.memory_space<semaphore_mem>>
          %dma_start3A_390 = arith.constant 0 : i32
          %dma_start3A_391 = arith.constant 0 : i32
          %dma_start3A_392 = tpu.memref_slice %run_scoped3A_8[%rem3A_379, %dma_start3A_390, %dma_start3A_391] : memref<2x4x1024xf32, #tpu.memory_space<vmem>> -> memref<1x4x1024xf32, #tpu.memory_space<vmem>>
          %dma_start3A_393 = tpu.memref_squeeze %dma_start3A_392 : memref<1x4x1024xf32, #tpu.memory_space<vmem>> -> memref<4x1024xf32, #tpu.memory_space<vmem>>
          %dma_start3A_394 = arith.constant 0 : i32
          %dma_start3A_395 = tpu.memref_slice %arg3[%mul3A_381, %dma_start3A_394] : memref<8192x1024xf32, #tpu.memory_space<hbm>> -> memref<4x1024xf32, #tpu.memory_space<hbm>>
          tpu.enqueue_dma source(%dma_start3A_395 : memref<4x1024xf32, #tpu.memory_space<hbm>>) target(%dma_start3A_393 : memref<4x1024xf32, #tpu.memory_space<vmem>>) target_semaphore(%dma_start3A_389 : memref<!tpu.dma_semaphore, #tpu.memory_space<semaphore_mem>>)
          "tpu.trace_stop"() : () -> ()
        } else {
        }
        %and3A_221 = arith.constant true
        %and3A_222 = arith.andi %and3A_217, %and3A_221 : i1
        %add3A_223 = arith.constant 1 : i32
        %add3A_224 = arith.addi %scan3A_160, %add3A_223 : i32
        %select_n3A_225 = arith.select %and3A_222, %add3A_224, %scan3A_160 : i32
        %ne3A_226 = arith.cmpi ne, %add3A_169, %add3A_187 : i32
        %or3A_227 = arith.constant false
        %or3A_228 = arith.ori %or3A_227, %ne3A_226 : i1
        %or3A_229 = arith.constant false
        %or3A_230 = arith.ori %or3A_228, %or3A_229 : i1
        %ge3A_231 = arith.constant 63 : i32
        %ge3A_232 = arith.cmpi sge, %scan3A_157, %ge3A_231 : i32
        %not3A_233 = arith.constant true
        %not3A_234 = arith.xori %ge3A_232, %not3A_233 : i1
        %and3A_235 = arith.andi %or3A_230, %not3A_234 : i1
        %ne3A_236 = arith.cmpi ne, %add3A_169, %add3A_178 : i32
        %or3A_237 = arith.constant false
        %or3A_238 = arith.ori %or3A_237, %ne3A_236 : i1
        %or3A_239 = arith.constant false
        %or3A_240 = arith.ori %or3A_238, %or3A_239 : i1
        %or3A_241 = arith.ori %or3A_240, %eq3A_166 : i1
        %convert_element_type3A_242 = arith.extui %or3A_241 : i1 to i32
        %cond3A_243 = arith.constant 0 : i32
        %cond3A_244 = arith.cmpi ne, %convert_element_type3A_242, %cond3A_243 : i32
        scf.if %cond3A_244 {
          "tpu.trace_start"() <{level = 10 : i32, message = "ep_wait_in"}> : () -> ()
          %mul3A_378 = arith.constant 4 : i32
          %mul3A_379 = arith.muli %mul3A_378, %add3A_169 : i32
          %rem3A_380 = arith.constant 2 : i32
          %rem3A_381 = arith.remui %scan3A_159, %rem3A_380 : i32
          %dma_wait3A_382 = arith.constant 0 : i32
          %dma_wait3A_383 = arith.constant 0 : i32
          %dma_wait3A_384 = arith.constant 0 : i32
          %dma_wait3A_385 = tpu.memref_slice %run_scoped3A[%rem3A_381, %dma_wait3A_382, %dma_wait3A_383, %dma_wait3A_384] : memref<2x4x4x1024xf32, #tpu.memory_space<vmem>> -> memref<1x4x4x1024xf32, #tpu.memory_space<vmem>>
          %dma_wait3A_386 = tpu.memref_squeeze %dma_wait3A_385 : memref<1x4x4x1024xf32, #tpu.memory_space<vmem>> -> memref<4x4x1024xf32, #tpu.memory_space<vmem>>
          %dma_wait3A_387 = arith.constant 0 : i32
          %dma_wait3A_388 = arith.constant 0 : i32
          %dma_wait3A_389 = tpu.memref_slice %arg2[%dma_wait3A_387, %mul3A_379, %dma_wait3A_388] : memref<4x8192x1024xf32, #tpu.memory_space<hbm>> -> memref<4x4x1024xf32, #tpu.memory_space<hbm>>
          %dma_wait3A_390 = tpu.memref_slice %run_scoped3A_7[%rem3A_381] : memref<2x!tpu.dma_semaphore, #tpu.memory_space<semaphore_mem>> -> memref<1x!tpu.dma_semaphore, #tpu.memory_space<semaphore_mem>>
          %dma_wait3A_391 = tpu.memref_squeeze %dma_wait3A_390 : memref<1x!tpu.dma_semaphore, #tpu.memory_space<semaphore_mem>> -> memref<!tpu.dma_semaphore, #tpu.memory_space<semaphore_mem>>
          %dma_wait3A_392 = arith.constant 0 : i32
          %dma_wait3A_393 = arith.constant 0 : i32
          %dma_wait3A_394 = arith.constant 0 : i32
          %dma_wait3A_395 = tpu.memref_slice %run_scoped3A[%rem3A_381, %dma_wait3A_392, %dma_wait3A_393, %dma_wait3A_394] : memref<2x4x4x1024xf32, #tpu.memory_space<vmem>> -> memref<1x4x4x1024xf32, #tpu.memory_space<vmem>>
          %dma_wait3A_396 = tpu.memref_squeeze %dma_wait3A_395 : memref<1x4x4x1024xf32, #tpu.memory_space<vmem>> -> memref<4x4x1024xf32, #tpu.memory_space<vmem>>
          %dma_wait3A_397 = arith.constant 0 : i32
          %dma_wait3A_398 = arith.constant 0 : i32
          %dma_wait3A_399 = tpu.memref_slice %arg2[%dma_wait3A_397, %mul3A_379, %dma_wait3A_398] : memref<4x8192x1024xf32, #tpu.memory_space<hbm>> -> memref<4x4x1024xf32, #tpu.memory_space<hbm>>
          tpu.wait_dma2 semaphore(%dma_wait3A_391 : memref<!tpu.dma_semaphore, #tpu.memory_space<semaphore_mem>>) src(%dma_wait3A_399 : memref<4x4x1024xf32, #tpu.memory_space<hbm>>) dst(%dma_wait3A_396 : memref<4x4x1024xf32, #tpu.memory_space<vmem>>)
          "tpu.trace_stop"() : () -> ()
        } else {
        }
        %ne3A_245 = arith.cmpi ne, %add3A_169, %add3A_178 : i32
        %or3A_246 = arith.constant false
        %or3A_247 = arith.ori %or3A_246, %ne3A_245 : i1
        %or3A_248 = arith.constant false
        %or3A_249 = arith.ori %or3A_247, %or3A_248 : i1
        %or3A_250 = arith.ori %or3A_249, %eq3A_166 : i1
        %convert_element_type3A_251 = arith.extui %or3A_250 : i1 to i32
        %cond3A_252 = arith.constant 0 : i32
        %cond3A_253 = arith.cmpi ne, %convert_element_type3A_251, %cond3A_252 : i32
        scf.if %cond3A_253 {
          "tpu.trace_start"() <{level = 10 : i32, message = "ep_wait_in"}> : () -> ()
          %mul3A_378 = arith.constant 4 : i32
          %mul3A_379 = arith.muli %mul3A_378, %add3A_169 : i32
          %rem3A_380 = arith.constant 2 : i32
          %rem3A_381 = arith.remui %scan3A_161, %rem3A_380 : i32
          %dma_wait3A_382 = arith.constant 0 : i32
          %dma_wait3A_383 = arith.constant 0 : i32
          %dma_wait3A_384 = tpu.memref_slice %run_scoped3A_8[%rem3A_381, %dma_wait3A_382, %dma_wait3A_383] : memref<2x4x1024xf32, #tpu.memory_space<vmem>> -> memref<1x4x1024xf32, #tpu.memory_space<vmem>>
          %dma_wait3A_385 = tpu.memref_squeeze %dma_wait3A_384 : memref<1x4x1024xf32, #tpu.memory_space<vmem>> -> memref<4x1024xf32, #tpu.memory_space<vmem>>
          %dma_wait3A_386 = arith.constant 0 : i32
          %dma_wait3A_387 = tpu.memref_slice %arg3[%mul3A_379, %dma_wait3A_386] : memref<8192x1024xf32, #tpu.memory_space<hbm>> -> memref<4x1024xf32, #tpu.memory_space<hbm>>
          %dma_wait3A_388 = tpu.memref_slice %run_scoped3A_9[%rem3A_381] : memref<2x!tpu.dma_semaphore, #tpu.memory_space<semaphore_mem>> -> memref<1x!tpu.dma_semaphore, #tpu.memory_space<semaphore_mem>>
          %dma_wait3A_389 = tpu.memref_squeeze %dma_wait3A_388 : memref<1x!tpu.dma_semaphore, #tpu.memory_space<semaphore_mem>> -> memref<!tpu.dma_semaphore, #tpu.memory_space<semaphore_mem>>
          %dma_wait3A_390 = arith.constant 0 : i32
          %dma_wait3A_391 = arith.constant 0 : i32
          %dma_wait3A_392 = tpu.memref_slice %run_scoped3A_8[%rem3A_381, %dma_wait3A_390, %dma_wait3A_391] : memref<2x4x1024xf32, #tpu.memory_space<vmem>> -> memref<1x4x1024xf32, #tpu.memory_space<vmem>>
          %dma_wait3A_393 = tpu.memref_squeeze %dma_wait3A_392 : memref<1x4x1024xf32, #tpu.memory_space<vmem>> -> memref<4x1024xf32, #tpu.memory_space<vmem>>
          %dma_wait3A_394 = arith.constant 0 : i32
          %dma_wait3A_395 = tpu.memref_slice %arg3[%mul3A_379, %dma_wait3A_394] : memref<8192x1024xf32, #tpu.memory_space<hbm>> -> memref<4x1024xf32, #tpu.memory_space<hbm>>
          tpu.wait_dma2 semaphore(%dma_wait3A_389 : memref<!tpu.dma_semaphore, #tpu.memory_space<semaphore_mem>>) src(%dma_wait3A_395 : memref<4x1024xf32, #tpu.memory_space<hbm>>) dst(%dma_wait3A_393 : memref<4x1024xf32, #tpu.memory_space<vmem>>)
          "tpu.trace_stop"() : () -> ()
        } else {
        }
        %ne3A_254 = arith.cmpi ne, %add3A_169, %add3A_178 : i32
        %or3A_255 = arith.constant false
        %or3A_256 = arith.ori %or3A_255, %ne3A_254 : i1
        %or3A_257 = arith.constant false
        %or3A_258 = arith.ori %or3A_256, %or3A_257 : i1
        %or3A_259 = arith.ori %or3A_258, %eq3A_166 : i1
        %convert_element_type3A_260 = arith.extui %or3A_259 : i1 to i32
        %cond3A_261 = arith.constant 0 : i32
        %cond3A_262 = arith.cmpi ne, %convert_element_type3A_260, %cond3A_261 : i32
        scf.if %cond3A_262 {
        } else {
        }
        %rem3A_263 = arith.constant 2 : i32
        %rem3A_264 = arith.remui %scan3A_159, %rem3A_263 : i32
        %rem3A_265 = arith.constant 2 : i32
        %rem3A_266 = arith.remui %scan3A_161, %rem3A_265 : i32
        %rem3A_267 = arith.constant 2 : i32
        %rem3A_268 = arith.remui %scan3A_162, %rem3A_267 : i32
        "tpu.trace_start"() <{level = 10 : i32, message = "ep_run_kernel"}> : () -> ()
        %scan3A_269 = arith.constant 0 : i32
        %scan3A_270 = arith.constant 4 : i32
        %scan3A_271 = arith.addi %scan3A_269, %scan3A_270 : i32
        %scan3A_272 = arith.constant 1 : i32
        scf.for %scan3A_378 = %scan3A_269 to %scan3A_271 step %scan3A_272  : i32 {
          %mul3A_379 = arith.constant 1 : i32
          %mul3A_380 = arith.muli %scan3A_378, %mul3A_379 : i32
          %add3A_381 = arith.constant 0 : i32
          %add3A_382 = arith.addi %add3A_381, %mul3A_380 : i32
          %parallel_loop3A = arith.constant 0 : i32
          %parallel_loop3A_383 = arith.constant 1024 : i32
          %parallel_loop3A_384 = arith.constant 16 : i32
          scf.for %parallel_loop3A_385 = %parallel_loop3A to %parallel_loop3A_383 step %parallel_loop3A_384  : i32 {
            %parallel_loop3A_386 = arith.constant 0 : i32
            %parallel_loop3A_387 = arith.constant 0 : i32
            %parallel_loop3A_388 = tpu.memref_slice %run_scoped3A_8[%rem3A_266, %parallel_loop3A_386, %parallel_loop3A_387] : memref<2x4x1024xf32, #tpu.memory_space<vmem>> -> memref<1x4x1024xf32, #tpu.memory_space<vmem>>
            %parallel_loop3A_389 = tpu.memref_squeeze %parallel_loop3A_388 : memref<1x4x1024xf32, #tpu.memory_space<vmem>> -> memref<4x1024xf32, #tpu.memory_space<vmem>>
            %parallel_loop3A_390 = arith.index_cast %add3A_382 : i32 to index
            %parallel_loop3A_391 = arith.index_cast %parallel_loop3A_385 : i32 to index
            %parallel_loop3A_392 = tpu.vector_load %parallel_loop3A_389[%parallel_loop3A_390, %parallel_loop3A_391] {strides = array<i32>} : memref<4x1024xf32, #tpu.memory_space<vmem>>, vector<1x16xf32>,
            %parallel_loop3A_393 = vector.shape_cast %parallel_loop3A_392 : vector<1x16xf32> to vector<1x16xf32>
            %parallel_loop3A_394 = arith.constant 0 : i32
            %parallel_loop3A_395 = arith.constant 0 : i32
            %parallel_loop3A_396 = arith.constant 0 : i32
            %parallel_loop3A_397 = arith.constant 0 : i32
            %parallel_loop3A_398 = tpu.memref_slice %run_scoped3A[%rem3A_264, %parallel_loop3A_395, %parallel_loop3A_396, %parallel_loop3A_397] : memref<2x4x4x1024xf32, #tpu.memory_space<vmem>> -> memref<1x4x4x1024xf32, #tpu.memory_space<vmem>>
            %parallel_loop3A_399 = tpu.memref_squeeze %parallel_loop3A_398 : memref<1x4x4x1024xf32, #tpu.memory_space<vmem>> -> memref<4x4x1024xf32, #tpu.memory_space<vmem>>
            %parallel_loop3A_400 = arith.index_cast %parallel_loop3A_394 : i32 to index
            %parallel_loop3A_401 = arith.index_cast %add3A_382 : i32 to index
            %parallel_loop3A_402 = arith.index_cast %parallel_loop3A_385 : i32 to index
            %parallel_loop3A_403 = tpu.vector_load %parallel_loop3A_399[%parallel_loop3A_400, %parallel_loop3A_401, %parallel_loop3A_402] {strides = array<i32>} : memref<4x4x1024xf32, #tpu.memory_space<vmem>>, vector<1x1x16xf32>,
            %parallel_loop3A_404 = vector.shape_cast %parallel_loop3A_403 : vector<1x1x16xf32> to vector<1x16xf32>
            %parallel_loop3A_405 = arith.addf %parallel_loop3A_404, %parallel_loop3A_393 : vector<1x16xf32>
            %parallel_loop3A_406 = arith.constant 0 : i32
            %parallel_loop3A_407 = arith.constant 0 : i32
            %parallel_loop3A_408 = arith.constant 0 : i32
            %parallel_loop3A_409 = arith.constant 0 : i32
            %parallel_loop3A_410 = tpu.memref_slice %run_scoped3A_10[%rem3A_268, %parallel_loop3A_407, %parallel_loop3A_408, %parallel_loop3A_409] : memref<2x4x4x1024xf32, #tpu.memory_space<vmem>> -> memref<1x4x4x1024xf32, #tpu.memory_space<vmem>>
            %parallel_loop3A_411 = tpu.memref_squeeze %parallel_loop3A_410 : memref<1x4x4x1024xf32, #tpu.memory_space<vmem>> -> memref<4x4x1024xf32, #tpu.memory_space<vmem>>
            %parallel_loop3A_412 = arith.index_cast %parallel_loop3A_406 : i32 to index
            %parallel_loop3A_413 = arith.index_cast %add3A_382 : i32 to index
            %parallel_loop3A_414 = arith.index_cast %parallel_loop3A_385 : i32 to index
            %parallel_loop3A_415 = tpu.vector_load %parallel_loop3A_411[%parallel_loop3A_412, %parallel_loop3A_413, %parallel_loop3A_414] {strides = array<i32>} : memref<4x4x1024xf32, #tpu.memory_space<vmem>>, vector<1x1x16xf32>,
            %parallel_loop3A_416 = vector.shape_cast %parallel_loop3A_415 : vector<1x1x16xf32> to vector<1x16xf32>
            %parallel_loop3A_417 = vector.shape_cast %parallel_loop3A_405 : vector<1x16xf32> to vector<1x1x16xf32>
            tpu.vector_store %parallel_loop3A_411[%parallel_loop3A_412, %parallel_loop3A_413, %parallel_loop3A_414], %parallel_loop3A_417 {strides = array<i32>} : memref<4x4x1024xf32, #tpu.memory_space<vmem>>, vector<1x1x16xf32>,
            %parallel_loop3A_418 = arith.constant 1 : i32
            %parallel_loop3A_419 = arith.constant 0 : i32
            %parallel_loop3A_420 = arith.constant 0 : i32
            %parallel_loop3A_421 = arith.constant 0 : i32
            %parallel_loop3A_422 = tpu.memref_slice %run_scoped3A[%rem3A_264, %parallel_loop3A_419, %parallel_loop3A_420, %parallel_loop3A_421] : memref<2x4x4x1024xf32, #tpu.memory_space<vmem>> -> memref<1x4x4x1024xf32, #tpu.memory_space<vmem>>
            %parallel_loop3A_423 = tpu.memref_squeeze %parallel_loop3A_422 : memref<1x4x4x1024xf32, #tpu.memory_space<vmem>> -> memref<4x4x1024xf32, #tpu.memory_space<vmem>>
            %parallel_loop3A_424 = arith.index_cast %parallel_loop3A_418 : i32 to index
            %parallel_loop3A_425 = arith.index_cast %add3A_382 : i32 to index
            %parallel_loop3A_426 = arith.index_cast %parallel_loop3A_385 : i32 to index
            %parallel_loop3A_427 = tpu.vector_load %parallel_loop3A_423[%parallel_loop3A_424, %parallel_loop3A_425, %parallel_loop3A_426] {strides = array<i32>} : memref<4x4x1024xf32, #tpu.memory_space<vmem>>, vector<1x1x16xf32>,
            %parallel_loop3A_428 = vector.shape_cast %parallel_loop3A_427 : vector<1x1x16xf32> to vector<1x16xf32>
            %parallel_loop3A_429 = arith.addf %parallel_loop3A_428, %parallel_loop3A_393 : vector<1x16xf32>
            %parallel_loop3A_430 = arith.constant 1 : i32
            %parallel_loop3A_431 = arith.constant 0 : i32
            %parallel_loop3A_432 = arith.constant 0 : i32
            %parallel_loop3A_433 = arith.constant 0 : i32
            %parallel_loop3A_434 = tpu.memref_slice %run_scoped3A_10[%rem3A_268, %parallel_loop3A_431, %parallel_loop3A_432, %parallel_loop3A_433] : memref<2x4x4x1024xf32, #tpu.memory_space<vmem>> -> memref<1x4x4x1024xf32, #tpu.memory_space<vmem>>
            %parallel_loop3A_435 = tpu.memref_squeeze %parallel_loop3A_434 : memref<1x4x4x1024xf32, #tpu.memory_space<vmem>> -> memref<4x4x1024xf32, #tpu.memory_space<vmem>>
            %parallel_loop3A_436 = arith.index_cast %parallel_loop3A_430 : i32 to index
            %parallel_loop3A_437 = arith.index_cast %add3A_382 : i32 to index
            %parallel_loop3A_438 = arith.index_cast %parallel_loop3A_385 : i32 to index
            %parallel_loop3A_439 = tpu.vector_load %parallel_loop3A_435[%parallel_loop3A_436, %parallel_loop3A_437, %parallel_loop3A_438] {strides = array<i32>} : memref<4x4x1024xf32, #tpu.memory_space<vmem>>, vector<1x1x16xf32>,
            %parallel_loop3A_440 = vector.shape_cast %parallel_loop3A_439 : vector<1x1x16xf32> to vector<1x16xf32>
            %parallel_loop3A_441 = vector.shape_cast %parallel_loop3A_429 : vector<1x16xf32> to vector<1x1x16xf32>
            tpu.vector_store %parallel_loop3A_435[%parallel_loop3A_436, %parallel_loop3A_437, %parallel_loop3A_438], %parallel_loop3A_441 {strides = array<i32>} : memref<4x4x1024xf32, #tpu.memory_space<vmem>>, vector<1x1x16xf32>,
            %parallel_loop3A_442 = arith.constant 2 : i32
            %parallel_loop3A_443 = arith.constant 0 : i32
            %parallel_loop3A_444 = arith.constant 0 : i32
            %parallel_loop3A_445 = arith.constant 0 : i32
            %parallel_loop3A_446 = tpu.memref_slice %run_scoped3A[%rem3A_264, %parallel_loop3A_443, %parallel_loop3A_444, %parallel_loop3A_445] : memref<2x4x4x1024xf32, #tpu.memory_space<vmem>> -> memref<1x4x4x1024xf32, #tpu.memory_space<vmem>>
            %parallel_loop3A_447 = tpu.memref_squeeze %parallel_loop3A_446 : memref<1x4x4x1024xf32, #tpu.memory_space<vmem>> -> memref<4x4x1024xf32, #tpu.memory_space<vmem>>
            %parallel_loop3A_448 = arith.index_cast %parallel_loop3A_442 : i32 to index
            %parallel_loop3A_449 = arith.index_cast %add3A_382 : i32 to index
            %parallel_loop3A_450 = arith.index_cast %parallel_loop3A_385 : i32 to index
            %parallel_loop3A_451 = tpu.vector_load %parallel_loop3A_447[%parallel_loop3A_448, %parallel_loop3A_449, %parallel_loop3A_450] {strides = array<i32>} : memref<4x4x1024xf32, #tpu.memory_space<vmem>>, vector<1x1x16xf32>,
            %parallel_loop3A_452 = vector.shape_cast %parallel_loop3A_451 : vector<1x1x16xf32> to vector<1x16xf32>
            %parallel_loop3A_453 = arith.addf %parallel_loop3A_452, %parallel_loop3A_393 : vector<1x16xf32>
            %parallel_loop3A_454 = arith.constant 2 : i32
            %parallel_loop3A_455 = arith.constant 0 : i32
            %parallel_loop3A_456 = arith.constant 0 : i32
            %parallel_loop3A_457 = arith.constant 0 : i32
            %parallel_loop3A_458 = tpu.memref_slice %run_scoped3A_10[%rem3A_268, %parallel_loop3A_455, %parallel_loop3A_456, %parallel_loop3A_457] : memref<2x4x4x1024xf32, #tpu.memory_space<vmem>> -> memref<1x4x4x1024xf32, #tpu.memory_space<vmem>>
            %parallel_loop3A_459 = tpu.memref_squeeze %parallel_loop3A_458 : memref<1x4x4x1024xf32, #tpu.memory_space<vmem>> -> memref<4x4x1024xf32, #tpu.memory_space<vmem>>
            %parallel_loop3A_460 = arith.index_cast %parallel_loop3A_454 : i32 to index
            %parallel_loop3A_461 = arith.index_cast %add3A_382 : i32 to index
            %parallel_loop3A_462 = arith.index_cast %parallel_loop3A_385 : i32 to index
            %parallel_loop3A_463 = tpu.vector_load %parallel_loop3A_459[%parallel_loop3A_460, %parallel_loop3A_461, %parallel_loop3A_462] {strides = array<i32>} : memref<4x4x1024xf32, #tpu.memory_space<vmem>>, vector<1x1x16xf32>,
            %parallel_loop3A_464 = vector.shape_cast %parallel_loop3A_463 : vector<1x1x16xf32> to vector<1x16xf32>
            %parallel_loop3A_465 = vector.shape_cast %parallel_loop3A_453 : vector<1x16xf32> to vector<1x1x16xf32>
            tpu.vector_store %parallel_loop3A_459[%parallel_loop3A_460, %parallel_loop3A_461, %parallel_loop3A_462], %parallel_loop3A_465 {strides = array<i32>} : memref<4x4x1024xf32, #tpu.memory_space<vmem>>, vector<1x1x16xf32>,
            %parallel_loop3A_466 = arith.constant 3 : i32
            %parallel_loop3A_467 = arith.constant 0 : i32
            %parallel_loop3A_468 = arith.constant 0 : i32
            %parallel_loop3A_469 = arith.constant 0 : i32
            %parallel_loop3A_470 = tpu.memref_slice %run_scoped3A[%rem3A_264, %parallel_loop3A_467, %parallel_loop3A_468, %parallel_loop3A_469] : memref<2x4x4x1024xf32, #tpu.memory_space<vmem>> -> memref<1x4x4x1024xf32, #tpu.memory_space<vmem>>
            %parallel_loop3A_471 = tpu.memref_squeeze %parallel_loop3A_470 : memref<1x4x4x1024xf32, #tpu.memory_space<vmem>> -> memref<4x4x1024xf32, #tpu.memory_space<vmem>>
            %parallel_loop3A_472 = arith.index_cast %parallel_loop3A_466 : i32 to index
            %parallel_loop3A_473 = arith.index_cast %add3A_382 : i32 to index
            %parallel_loop3A_474 = arith.index_cast %parallel_loop3A_385 : i32 to index
            %parallel_loop3A_475 = tpu.vector_load %parallel_loop3A_471[%parallel_loop3A_472, %parallel_loop3A_473, %parallel_loop3A_474] {strides = array<i32>} : memref<4x4x1024xf32, #tpu.memory_space<vmem>>, vector<1x1x16xf32>,
            %parallel_loop3A_476 = vector.shape_cast %parallel_loop3A_475 : vector<1x1x16xf32> to vector<1x16xf32>
            %parallel_loop3A_477 = arith.addf %parallel_loop3A_476, %parallel_loop3A_393 : vector<1x16xf32>
            %parallel_loop3A_478 = arith.constant 3 : i32
            %parallel_loop3A_479 = arith.constant 0 : i32
            %parallel_loop3A_480 = arith.constant 0 : i32
            %parallel_loop3A_481 = arith.constant 0 : i32
            %parallel_loop3A_482 = tpu.memref_slice %run_scoped3A_10[%rem3A_268, %parallel_loop3A_479, %parallel_loop3A_480, %parallel_loop3A_481] : memref<2x4x4x1024xf32, #tpu.memory_space<vmem>> -> memref<1x4x4x1024xf32, #tpu.memory_space<vmem>>
            %parallel_loop3A_483 = tpu.memref_squeeze %parallel_loop3A_482 : memref<1x4x4x1024xf32, #tpu.memory_space<vmem>> -> memref<4x4x1024xf32, #tpu.memory_space<vmem>>
            %parallel_loop3A_484 = arith.index_cast %parallel_loop3A_478 : i32 to index
            %parallel_loop3A_485 = arith.index_cast %add3A_382 : i32 to index
            %parallel_loop3A_486 = arith.index_cast %parallel_loop3A_385 : i32 to index
            %parallel_loop3A_487 = tpu.vector_load %parallel_loop3A_483[%parallel_loop3A_484, %parallel_loop3A_485, %parallel_loop3A_486] {strides = array<i32>} : memref<4x4x1024xf32, #tpu.memory_space<vmem>>, vector<1x1x16xf32>,
            %parallel_loop3A_488 = vector.shape_cast %parallel_loop3A_487 : vector<1x1x16xf32> to vector<1x16xf32>
            %parallel_loop3A_489 = vector.shape_cast %parallel_loop3A_477 : vector<1x16xf32> to vector<1x1x16xf32>
            tpu.vector_store %parallel_loop3A_483[%parallel_loop3A_484, %parallel_loop3A_485, %parallel_loop3A_486], %parallel_loop3A_489 {strides = array<i32>} : memref<4x4x1024xf32, #tpu.memory_space<vmem>>, vector<1x1x16xf32>,
          } {sc.loop_unroll_factor = 8 : i64, sc.parallel_access}
        }
        %scan3A_273 = arith.constant 4 : i32
        "tpu.trace_stop"() : () -> ()
        %ne3A_274 = arith.cmpi ne, %add3A_169, %add3A_187 : i32
        %or3A_275 = arith.constant false
        %or3A_276 = arith.ori %or3A_275, %ne3A_274 : i1
        %or3A_277 = arith.constant false
        %or3A_278 = arith.ori %or3A_276, %or3A_277 : i1
        %or3A_279 = arith.ori %or3A_278, %eq3A_168 : i1
        %convert_element_type3A_280 = arith.extui %or3A_279 : i1 to i32
        %cond3A_281 = arith.constant 0 : i32
        %cond3A_282 = arith.cmpi ne, %convert_element_type3A_280, %cond3A_281 : i32
        scf.if %cond3A_282 {
        } else {
        }
        %and3A_283 = arith.constant false
        %and3A_284 = arith.andi %or3A_279, %and3A_283 : i1
        %ne3A_285 = arith.cmpi ne, %add3A_169, %add3A_187 : i32
        %or3A_286 = arith.constant false
        %or3A_287 = arith.ori %or3A_286, %ne3A_285 : i1
        %or3A_288 = arith.constant false
        %or3A_289 = arith.ori %or3A_287, %or3A_288 : i1
        %or3A_290 = arith.ori %or3A_289, %eq3A_168 : i1
        %convert_element_type3A_291 = arith.extui %or3A_290 : i1 to i32
        %cond3A_292 = arith.constant 0 : i32
        %cond3A_293 = arith.cmpi ne, %convert_element_type3A_291, %cond3A_292 : i32
        scf.if %cond3A_293 {
        } else {
        }
        %and3A_294 = arith.constant false
        %and3A_295 = arith.andi %or3A_290, %and3A_294 : i1
        %ne3A_296 = arith.cmpi ne, %add3A_169, %add3A_187 : i32
        %or3A_297 = arith.constant false
        %or3A_298 = arith.ori %or3A_297, %ne3A_296 : i1
        %or3A_299 = arith.constant false
        %or3A_300 = arith.ori %or3A_298, %or3A_299 : i1
        %or3A_301 = arith.ori %or3A_300, %eq3A_168 : i1
        %convert_element_type3A_302 = arith.extui %or3A_301 : i1 to i32
        %cond3A_303 = arith.constant 0 : i32
        %cond3A_304 = arith.cmpi ne, %convert_element_type3A_302, %cond3A_303 : i32
        scf.if %cond3A_304 {
          "tpu.trace_start"() <{level = 10 : i32, message = "ep_copy_out"}> : () -> ()
          %rem3A_378 = arith.constant 2 : i32
          %rem3A_379 = arith.remui %scan3A_162, %rem3A_378 : i32
          %mul3A_380 = arith.constant 4 : i32
          %mul3A_381 = arith.muli %mul3A_380, %add3A_169 : i32
          %dma_start3A_382 = arith.constant 0 : i32
          %dma_start3A_383 = arith.constant 0 : i32
          %dma_start3A_384 = arith.constant 0 : i32
          %dma_start3A_385 = tpu.memref_slice %run_scoped3A_10[%rem3A_379, %dma_start3A_382, %dma_start3A_383, %dma_start3A_384] : memref<2x4x4x1024xf32, #tpu.memory_space<vmem>> -> memref<1x4x4x1024xf32, #tpu.memory_space<vmem>>
          %dma_start3A_386 = tpu.memref_squeeze %dma_start3A_385 : memref<1x4x4x1024xf32, #tpu.memory_space<vmem>> -> memref<4x4x1024xf32, #tpu.memory_space<vmem>>
          %dma_start3A_387 = arith.constant 0 : i32
          %dma_start3A_388 = arith.constant 0 : i32
          %dma_start3A_389 = tpu.memref_slice %arg4[%dma_start3A_387, %mul3A_381, %dma_start3A_388] : memref<4x8192x1024xf32, #tpu.memory_space<hbm>> -> memref<4x4x1024xf32, #tpu.memory_space<hbm>>
          %dma_start3A_390 = tpu.memref_slice %run_scoped3A_11[%rem3A_379] : memref<2x!tpu.dma_semaphore, #tpu.memory_space<semaphore_mem>> -> memref<1x!tpu.dma_semaphore, #tpu.memory_space<semaphore_mem>>
          %dma_start3A_391 = tpu.memref_squeeze %dma_start3A_390 : memref<1x!tpu.dma_semaphore, #tpu.memory_space<semaphore_mem>> -> memref<!tpu.dma_semaphore, #tpu.memory_space<semaphore_mem>>
          %dma_start3A_392 = arith.constant 0 : i32
          %dma_start3A_393 = arith.constant 0 : i32
          %dma_start3A_394 = tpu.memref_slice %arg4[%dma_start3A_392, %mul3A_381, %dma_start3A_393] : memref<4x8192x1024xf32, #tpu.memory_space<hbm>> -> memref<4x4x1024xf32, #tpu.memory_space<hbm>>
          %dma_start3A_395 = arith.constant 0 : i32
          %dma_start3A_396 = arith.constant 0 : i32
          %dma_start3A_397 = arith.constant 0 : i32
          %dma_start3A_398 = tpu.memref_slice %run_scoped3A_10[%rem3A_379, %dma_start3A_395, %dma_start3A_396, %dma_start3A_397] : memref<2x4x4x1024xf32, #tpu.memory_space<vmem>> -> memref<1x4x4x1024xf32, #tpu.memory_space<vmem>>
          %dma_start3A_399 = tpu.memref_squeeze %dma_start3A_398 : memref<1x4x4x1024xf32, #tpu.memory_space<vmem>> -> memref<4x4x1024xf32, #tpu.memory_space<vmem>>
          tpu.enqueue_dma source(%dma_start3A_399 : memref<4x4x1024xf32, #tpu.memory_space<vmem>>) target(%dma_start3A_394 : memref<4x4x1024xf32, #tpu.memory_space<hbm>>) target_semaphore(%dma_start3A_391 : memref<!tpu.dma_semaphore, #tpu.memory_space<semaphore_mem>>)
          "tpu.trace_stop"() : () -> ()
        } else {
        }
        %and3A_305 = arith.constant true
        %and3A_306 = arith.andi %or3A_301, %and3A_305 : i1
        %add3A_307 = arith.constant 1 : i32
        %add3A_308 = arith.addi %scan3A_162, %add3A_307 : i32
        %select_n3A_309 = arith.select %and3A_306, %add3A_308, %scan3A_162 : i32
        %ne3A_310 = arith.cmpi ne, %add3A_169, %add3A_178 : i32
        %or3A_311 = arith.constant false
        %or3A_312 = arith.ori %or3A_311, %ne3A_310 : i1
        %or3A_313 = arith.constant false
        %or3A_314 = arith.ori %or3A_312, %or3A_313 : i1
        %not3A_315 = arith.constant true
        %not3A_316 = arith.xori %eq3A_166, %not3A_315 : i1
        %and3A_317 = arith.andi %or3A_314, %not3A_316 : i1
        %convert_element_type3A_318 = arith.extui %and3A_317 : i1 to i32
        %cond3A_319 = arith.constant 0 : i32
        %cond3A_320 = arith.cmpi ne, %convert_element_type3A_318, %cond3A_319 : i32
        scf.if %cond3A_320 {
        } else {
        }
        %and3A_321 = arith.constant false
        %and3A_322 = arith.andi %and3A_317, %and3A_321 : i1
        %ne3A_323 = arith.cmpi ne, %add3A_169, %add3A_178 : i32
        %or3A_324 = arith.constant false
        %or3A_325 = arith.ori %or3A_324, %ne3A_323 : i1
        %or3A_326 = arith.constant false
        %or3A_327 = arith.ori %or3A_325, %or3A_326 : i1
        %not3A_328 = arith.constant true
        %not3A_329 = arith.xori %eq3A_166, %not3A_328 : i1
        %and3A_330 = arith.andi %or3A_327, %not3A_329 : i1
        %convert_element_type3A_331 = arith.extui %and3A_330 : i1 to i32
        %cond3A_332 = arith.constant 0 : i32
        %cond3A_333 = arith.cmpi ne, %convert_element_type3A_331, %cond3A_332 : i32
        scf.if %cond3A_333 {
        } else {
        }
        %and3A_334 = arith.constant false
        %and3A_335 = arith.andi %and3A_330, %and3A_334 : i1
        %ne3A_336 = arith.cmpi ne, %add3A_169, %add3A_178 : i32
        %or3A_337 = arith.constant false
        %or3A_338 = arith.ori %or3A_337, %ne3A_336 : i1
        %or3A_339 = arith.constant false
        %or3A_340 = arith.ori %or3A_338, %or3A_339 : i1
        %not3A_341 = arith.constant true
        %not3A_342 = arith.xori %eq3A_166, %not3A_341 : i1
        %and3A_343 = arith.andi %or3A_340, %not3A_342 : i1
        %convert_element_type3A_344 = arith.extui %and3A_343 : i1 to i32
        %cond3A_345 = arith.constant 0 : i32
        %cond3A_346 = arith.cmpi ne, %convert_element_type3A_344, %cond3A_345 : i32
        scf.if %cond3A_346 {
          "tpu.trace_start"() <{level = 10 : i32, message = "ep_wait_out"}> : () -> ()
          %rem3A_378 = arith.constant 2 : i32
          %rem3A_379 = arith.remui %scan3A_163, %rem3A_378 : i32
          %mul3A_380 = arith.constant 4 : i32
          %mul3A_381 = arith.muli %mul3A_380, %add3A_178 : i32
          %dma_wait3A_382 = arith.constant 0 : i32
          %dma_wait3A_383 = arith.constant 0 : i32
          %dma_wait3A_384 = arith.constant 0 : i32
          %dma_wait3A_385 = tpu.memref_slice %run_scoped3A_10[%rem3A_379, %dma_wait3A_382, %dma_wait3A_383, %dma_wait3A_384] : memref<2x4x4x1024xf32, #tpu.memory_space<vmem>> -> memref<1x4x4x1024xf32, #tpu.memory_space<vmem>>
          %dma_wait3A_386 = tpu.memref_squeeze %dma_wait3A_385 : memref<1x4x4x1024xf32, #tpu.memory_space<vmem>> -> memref<4x4x1024xf32, #tpu.memory_space<vmem>>
          %dma_wait3A_387 = arith.constant 0 : i32
          %dma_wait3A_388 = arith.constant 0 : i32
          %dma_wait3A_389 = tpu.memref_slice %arg4[%dma_wait3A_387, %mul3A_381, %dma_wait3A_388] : memref<4x8192x1024xf32, #tpu.memory_space<hbm>> -> memref<4x4x1024xf32, #tpu.memory_space<hbm>>
          %dma_wait3A_390 = tpu.memref_slice %run_scoped3A_11[%rem3A_379] : memref<2x!tpu.dma_semaphore, #tpu.memory_space<semaphore_mem>> -> memref<1x!tpu.dma_semaphore, #tpu.memory_space<semaphore_mem>>
          %dma_wait3A_391 = tpu.memref_squeeze %dma_wait3A_390 : memref<1x!tpu.dma_semaphore, #tpu.memory_space<semaphore_mem>> -> memref<!tpu.dma_semaphore, #tpu.memory_space<semaphore_mem>>
          %dma_wait3A_392 = arith.constant 0 : i32
          %dma_wait3A_393 = arith.constant 0 : i32
          %dma_wait3A_394 = tpu.memref_slice %arg4[%dma_wait3A_392, %mul3A_381, %dma_wait3A_393] : memref<4x8192x1024xf32, #tpu.memory_space<hbm>> -> memref<4x4x1024xf32, #tpu.memory_space<hbm>>
          %dma_wait3A_395 = arith.constant 0 : i32
          %dma_wait3A_396 = arith.constant 0 : i32
          %dma_wait3A_397 = arith.constant 0 : i32
          %dma_wait3A_398 = tpu.memref_slice %run_scoped3A_10[%rem3A_379, %dma_wait3A_395, %dma_wait3A_396, %dma_wait3A_397] : memref<2x4x4x1024xf32, #tpu.memory_space<vmem>> -> memref<1x4x4x1024xf32, #tpu.memory_space<vmem>>
          %dma_wait3A_399 = tpu.memref_squeeze %dma_wait3A_398 : memref<1x4x4x1024xf32, #tpu.memory_space<vmem>> -> memref<4x4x1024xf32, #tpu.memory_space<vmem>>
          tpu.wait_dma2 semaphore(%dma_wait3A_391 : memref<!tpu.dma_semaphore, #tpu.memory_space<semaphore_mem>>) src(%dma_wait3A_399 : memref<4x4x1024xf32, #tpu.memory_space<vmem>>) dst(%dma_wait3A_394 : memref<4x4x1024xf32, #tpu.memory_space<hbm>>)
          "tpu.trace_stop"() : () -> ()
        } else {
        }
        %and3A_347 = arith.constant true
        %and3A_348 = arith.andi %and3A_343, %and3A_347 : i1
        %add3A_349 = arith.constant 1 : i32
        %add3A_350 = arith.addi %scan3A_163, %add3A_349 : i32
        %select_n3A_351 = arith.select %and3A_348, %add3A_350, %scan3A_163 : i32
        %ne3A_352 = arith.cmpi ne, %add3A_169, %add3A_187 : i32
        %or3A_353 = arith.constant false
        %or3A_354 = arith.ori %or3A_353, %ne3A_352 : i1
        %or3A_355 = arith.constant false
        %or3A_356 = arith.ori %or3A_354, %or3A_355 : i1
        %or3A_357 = arith.ori %or3A_356, %eq3A_168 : i1
        %add3A_358 = arith.constant 1 : i32
        %add3A_359 = arith.addi %scan3A_159, %add3A_358 : i32
        %select_n3A_360 = arith.select %or3A_357, %add3A_359, %scan3A_159 : i32
        %ne3A_361 = arith.cmpi ne, %add3A_169, %add3A_187 : i32
        %or3A_362 = arith.constant false
        %or3A_363 = arith.ori %or3A_362, %ne3A_361 : i1
        %or3A_364 = arith.constant false
        %or3A_365 = arith.ori %or3A_363, %or3A_364 : i1
        %or3A_366 = arith.ori %or3A_365, %eq3A_168 : i1
        %add3A_367 = arith.constant 1 : i32
        %add3A_368 = arith.addi %scan3A_161, %add3A_367 : i32
        %select_n3A_369 = arith.select %or3A_366, %add3A_368, %scan3A_161 : i32
        %add3A_370 = arith.constant 1 : i32
        %add3A_371 = arith.addi %scan3A_164, %add3A_370 : i32
        %select_n3A_372 = arith.constant true
        %select_n3A_373 = arith.select %select_n3A_372, %add3A_371, %scan3A_164 : i32
        %eq3A_374 = arith.constant 64 : i32
        %eq3A_375 = arith.cmpi eq, %select_n3A_373, %eq3A_374 : i32
        %select_n3A_376 = arith.constant 0 : i32
        %select_n3A_377 = arith.select %eq3A_375, %select_n3A_376, %select_n3A_373 : i32
        scf.yield %select_n3A_207, %select_n3A_360, %select_n3A_225, %select_n3A_369, %select_n3A_309, %select_n3A_351, %select_n3A_377 : i32, i32, i32, i32, i32, i32, i32
      }
      %scan3A_100 = arith.constant 64 : i32
      %sub3A = arith.constant 1 : i32
      %sub3A_101 = arith.subi %scan3A_99#6, %sub3A : i32
      %select_n3A_102 = arith.constant true
      %select_n3A_103 = arith.select %select_n3A_102, %sub3A_101, %scan3A_99#6 : i32
      %eq3A_104 = arith.constant -1 : i32
      %eq3A_105 = arith.cmpi eq, %select_n3A_103, %eq3A_104 : i32
      %select_n3A_106 = arith.constant 63 : i32
      %select_n3A_107 = arith.select %eq3A_105, %select_n3A_106, %select_n3A_103 : i32
      %add3A_108 = arith.addi %select_n3A_107, %mul3A_6 : i32
      %sub3A_109 = arith.constant 1 : i32
      %sub3A_110 = arith.subi %select_n3A_107, %sub3A_109 : i32
      %select_n3A_111 = arith.constant true
      %select_n3A_112 = arith.select %select_n3A_111, %sub3A_110, %select_n3A_107 : i32
      %eq3A_113 = arith.constant -1 : i32
      %eq3A_114 = arith.cmpi eq, %select_n3A_112, %eq3A_113 : i32
      %select_n3A_115 = arith.constant 63 : i32
      %select_n3A_116 = arith.select %eq3A_114, %select_n3A_115, %select_n3A_112 : i32
      %add3A_117 = arith.addi %select_n3A_116, %mul3A_6 : i32
      %add3A_118 = arith.constant 1 : i32
      %add3A_119 = arith.addi %select_n3A_107, %add3A_118 : i32
      %select_n3A_120 = arith.constant true
      %select_n3A_121 = arith.select %select_n3A_120, %add3A_119, %select_n3A_107 : i32
      %eq3A_122 = arith.constant 64 : i32
      %eq3A_123 = arith.cmpi eq, %select_n3A_121, %eq3A_122 : i32
      %select_n3A_124 = arith.constant 0 : i32
      %select_n3A_125 = arith.select %eq3A_123, %select_n3A_124, %select_n3A_121 : i32
      %add3A_126 = arith.addi %select_n3A_125, %mul3A_6 : i32
      %add3A_127 = arith.constant 1 : i32
      %add3A_128 = arith.addi %select_n3A_125, %add3A_127 : i32
      %select_n3A_129 = arith.constant true
      %select_n3A_130 = arith.select %select_n3A_129, %add3A_128, %select_n3A_125 : i32
      %eq3A_131 = arith.constant 64 : i32
      %eq3A_132 = arith.cmpi eq, %select_n3A_130, %eq3A_131 : i32
      %select_n3A_133 = arith.constant 0 : i32
      %select_n3A_134 = arith.select %eq3A_132, %select_n3A_133, %select_n3A_130 : i32
      %add3A_135 = arith.addi %select_n3A_134, %mul3A_6 : i32
      "tpu.trace_start"() <{level = 10 : i32, message = "ep_finalize"}> : () -> ()
      %rem3A_136 = arith.constant 2 : i32
      %rem3A_137 = arith.remui %scan3A_99#5, %rem3A_136 : i32
      %mul3A_138 = arith.constant 4 : i32
      %mul3A_139 = arith.muli %mul3A_138, %add3A_108 : i32
      %dma_wait3A = arith.constant 0 : i32
      %dma_wait3A_140 = arith.constant 0 : i32
      %dma_wait3A_141 = arith.constant 0 : i32
      %dma_wait3A_142 = tpu.memref_slice %run_scoped3A_10[%rem3A_137, %dma_wait3A, %dma_wait3A_140, %dma_wait3A_141] : memref<2x4x4x1024xf32, #tpu.memory_space<vmem>> -> memref<1x4x4x1024xf32, #tpu.memory_space<vmem>>
      %dma_wait3A_143 = tpu.memref_squeeze %dma_wait3A_142 : memref<1x4x4x1024xf32, #tpu.memory_space<vmem>> -> memref<4x4x1024xf32, #tpu.memory_space<vmem>>
      %dma_wait3A_144 = arith.constant 0 : i32
      %dma_wait3A_145 = arith.constant 0 : i32
      %dma_wait3A_146 = tpu.memref_slice %arg4[%dma_wait3A_144, %mul3A_139, %dma_wait3A_145] : memref<4x8192x1024xf32, #tpu.memory_space<hbm>> -> memref<4x4x1024xf32, #tpu.memory_space<hbm>>
      %dma_wait3A_147 = tpu.memref_slice %run_scoped3A_11[%rem3A_137] : memref<2x!tpu.dma_semaphore, #tpu.memory_space<semaphore_mem>> -> memref<1x!tpu.dma_semaphore, #tpu.memory_space<semaphore_mem>>
      %dma_wait3A_148 = tpu.memref_squeeze %dma_wait3A_147 : memref<1x!tpu.dma_semaphore, #tpu.memory_space<semaphore_mem>> -> memref<!tpu.dma_semaphore, #tpu.memory_space<semaphore_mem>>
      %dma_wait3A_149 = arith.constant 0 : i32
      %dma_wait3A_150 = arith.constant 0 : i32
      %dma_wait3A_151 = tpu.memref_slice %arg4[%dma_wait3A_149, %mul3A_139, %dma_wait3A_150] : memref<4x8192x1024xf32, #tpu.memory_space<hbm>> -> memref<4x4x1024xf32, #tpu.memory_space<hbm>>
      %dma_wait3A_152 = arith.constant 0 : i32
      %dma_wait3A_153 = arith.constant 0 : i32
      %dma_wait3A_154 = arith.constant 0 : i32
      %dma_wait3A_155 = tpu.memref_slice %run_scoped3A_10[%rem3A_137, %dma_wait3A_152, %dma_wait3A_153, %dma_wait3A_154] : memref<2x4x4x1024xf32, #tpu.memory_space<vmem>> -> memref<1x4x4x1024xf32, #tpu.memory_space<vmem>>
      %dma_wait3A_156 = tpu.memref_squeeze %dma_wait3A_155 : memref<1x4x4x1024xf32, #tpu.memory_space<vmem>> -> memref<4x4x1024xf32, #tpu.memory_space<vmem>>
      tpu.wait_dma2 semaphore(%dma_wait3A_148 : memref<!tpu.dma_semaphore, #tpu.memory_space<semaphore_mem>>) src(%dma_wait3A_156 : memref<4x4x1024xf32, #tpu.memory_space<vmem>>) dst(%dma_wait3A_151 : memref<4x4x1024xf32, #tpu.memory_space<hbm>>)
      "tpu.trace_stop"() : () -> ()
      tpu.yield
    }) : () -> ()
    return
  }
}

</mosaic_0001>

<sc_bundles>
// kernel: kernel.3.cloned.1.call-start
scs
__scs_entry_jumppad:
0x0: {  	(pc) =	sbr.rel $0x88, $3  }
0x1: {  	(tag) =	ssettag $0x0;
	lr =	simm.s32 $0x1  }
0x2: {  	[smem:$0x3F9F] =	sst lr;
	_ =	strace $0xD0000000  }
0x3: {  	_ = 	snop  }
0x4: {  	_ = 	snop  }
0x5: {  	_ = 	snop  }
0x6: {  	_ = 	snop  }
0x7: {  	_ = 	snop  }
__scs_overlays_trampoline_lowered:
0x8: {  	[smem:$0x3FAE] =	sst s0  }
0x9: {  	[smem:$0x3FAF] =	sst s1  }
0xa: {  	[smem:$0x3FB0] =	sst s2  }
0xb: {  	[smem:$0x3FB1] =	sst s3  }
0xc: {  	[smem:$0x3FB2] =	sst s4  }
0xd: {  	[smem:$0x3FB3] =	sst s5  }
0xe: {  	[smem:$0x3FB4] =	sst s6  }
0xf: {  	[smem:$0x3FB5] =	sst s7  }
0x10: {  	[smem:$0x3FB6] =	sst s8  }
0x11: {  	[smem:$0x3FB7] =	sst s9;
	s0 =	simm.s32 @!p0 $0x0  }
0x12: {  	s1 =	sld [smem:$0x3F9D];
	s0 =	simm.s32 @p0 $0x1  }
0x13: {  	[smem:$0x3FB8] =	sst s0;
	s0 =	simm.s32 @!p1 $0x0  }
0x14: {  	s2 =	sld [smem:$0x3F9C];
	s0 =	simm.s32 @p1 $0x1  }
0x15: {  	[smem:$0x3FB9] =	sst s0;
	s0 =	simm.s32 @!p2 $0x0  }
0x16: {  	s3 =	sld [smem:$0x3FDB];
	s0 =	simm.s32 @p2 $0x1  }
0x17: {  	s4 =	simm.s32 $0x1BF5;
	[smem:$0x3FBB] =	sst s0  }
0x18: {  	s0 =	sld [smem:$0x3F9E];
	_ =	swait.ge [sflag:s4], $0x0  }
0x19: {  	s7 =	sld [smem:$0x3F9F]  }
0x1a: {  	s8 =	sadd.s32 $0xFFFFE003, lr  }
0x1b: {  	s9 =	sadd.s32 $0xFFFFFEF7, lr;
	s5 =	simm.s32 $0xFFFFFFFF;
	p2 =	slt.u32 s8, $0xFFFFF086  }
0x1c: {  	p1 =	slt.u32 s9, $0xF7A;
	s5 =	simm.s32 @!p2 $0x0  }
0x1d: {  	s5 =	simm.s32 @p1 $0x1;
	p0 =	seq.s32 s7, s2  }
0x1e: {  	s7 =	smul.u32 @!p0 $0xF7A, s2;
	p2 =	seq.s32 @!p0 s5, $0x0  }
0x1f: {  	s9 =	smul.u32 $0xF7A, s1;
	s8 =	simm.s32 @!p0 $0x1BF5;
	p2 =	por !p2, p0  }
0x20: {  	[sflag:s8] =	ssyncset.s32 @!p0 $0xFFFFF086;
	s6 =	sadd.s32 @!p0 s3, s7;
	s7 =	simm.s32 @!p0 $0x108  }
0x21: {  	s3 =	sadd.s32 s3, s9;
	s6 =	sadd.s32 @!p0 $0x88, s6;
	s7 =	simm.s32 @p2 $0x1082  }
0x22: {  	[simem:s7], [sflag:s8] =	dma.local @!p0 [hbm:s6], $0xF7A  }
0x23: {  	s9 =	sor.u32 $0xD0000000, s2;
	s6 =	simm.s32 $0x108;
	_ =	swait.ge @!p0 [sflag:s8], $0x0  }
0x24: {  	s3 =	sadd.s32 $0x88, s3;
	s6 =	simm.s32 @!p1 $0x1082;
	[sflag:s4] =	ssyncset.s32 $0xFFFFF086  }
0x25: {  	[simem:s6], [sflag:s4] =	dma.local [hbm:s3], $0xF7A  }
0x26: {  	[smem:$0x3F9F] =	sst s1;
	(tag) =	ssettag s2;
	_ =	strace s9  }
0x27: {  	s1 =	sld [smem:$0x3FAF]  }
0x28: {  	s2 =	sld [smem:$0x3FB0]  }
0x29: {  	s4 =	sld [smem:$0x3FB2]  }
0x2a: {  	p0 =	seq.s32 s5, $0x0;
	s5 =	sld [smem:$0x3FB3]  }
0x2b: {  	s6 =	sld [smem:$0x3FB4]  }
0x2c: {  	s7 =	sld [smem:$0x3FB5]  }
0x2d: {  	s3 =	simm.s32 $0x108;
	s8 =	sld [smem:$0x3FB6]  }
0x2e: {  	s3 =	simm.s32 @!p0 $0x1082;
	s9 =	sld [smem:$0x3FB7]  }
0x2f: {  	lr =	sadd.s32 s0, s3;
	s0 =	sld [smem:$0x3FAE]  }
0x30: {  	s3 =	sld [smem:$0x3FB1]  }
0x31: {  	[smem:$0x3FBA] =	sst s10  }
0x32: {  	s10 =	sld [smem:$0x3FB8];
	_ =	sdelay $0x3  }
0x33: {  	p0 =	seq.s32 s10, $0x1;
	s10 =	sld [smem:$0x3FBA];
	_ =	sdelay $0x3  }
0x34: {  	[smem:$0x3FBA] =	sst s10  }
0x35: {  	s10 =	sld [smem:$0x3FB9];
	_ =	sdelay $0x3  }
0x36: {  	p1 =	seq.s32 s10, $0x1;
	s10 =	sld [smem:$0x3FBA];
	_ =	sdelay $0x3  }
0x37: {  	[smem:$0x3FBA] =	sst s10  }
0x38: {  	s10 =	sld [smem:$0x3FBB]  }
0x39: {  	_ = 	snop;
	(pc) =	sbr.ind lr, $3  }
0x3a: {  	_ = 	snop  }
0x3b: {  	_ = 	snop  }
0x3c: {  	p2 =	seq.s32 s10, $0x1;
	s10 =	sld [smem:$0x3FBA]  }
0x3d: {  	_ =	shalt  }
0x3e: {  	_ =	shalt  }
0x3f: {  	_ =	shalt  }
0x40: {  	_ =	shalt  }
0x41: {  	_ =	shalt  }
0x42: {  	_ =	shalt  }
0x43: {  	_ =	shalt  }
0x44: {  	_ =	shalt  }
0x45: {  	_ =	shalt  }
0x46: {  	_ =	shalt  }
0x47: {  	_ =	shalt  }
0x48: {  	_ =	shalt  }
0x49: {  	_ =	shalt  }
0x4a: {  	_ =	shalt  }
0x4b: {  	_ =	shalt  }
0x4c: {  	_ =	shalt  }
0x4d: {  	_ =	shalt  }
0x4e: {  	_ =	shalt  }
0x4f: {  	_ =	shalt  }
0x50: {  	_ =	shalt  }
0x51: {  	_ =	shalt  }
0x52: {  	_ =	shalt  }
0x53: {  	_ =	shalt  }
0x54: {  	_ =	shalt  }
0x55: {  	_ =	shalt  }
0x56: {  	_ =	shalt  }
0x57: {  	_ =	shalt  }
0x58: {  	_ =	shalt  }
0x59: {  	_ =	shalt  }
0x5a: {  	_ =	shalt  }
0x5b: {  	_ =	shalt  }
0x5c: {  	_ =	shalt  }
0x5d: {  	_ =	shalt  }
0x5e: {  	_ =	shalt  }
0x5f: {  	_ =	shalt  }
0x60: {  	_ =	shalt  }
0x61: {  	_ =	shalt  }
0x62: {  	_ =	shalt  }
0x63: {  	_ =	shalt  }
0x64: {  	_ =	shalt  }
0x65: {  	_ =	shalt  }
0x66: {  	_ =	shalt  }
0x67: {  	_ =	shalt  }
0x68: {  	_ =	shalt  }
0x69: {  	_ =	shalt  }
0x6a: {  	_ =	shalt  }
0x6b: {  	_ =	shalt  }
0x6c: {  	_ =	shalt  }
0x6d: {  	_ =	shalt  }
0x6e: {  	_ =	shalt  }
0x6f: {  	_ =	shalt  }
0x70: {  	_ =	shalt  }
0x71: {  	_ =	shalt  }
0x72: {  	_ =	shalt  }
0x73: {  	_ =	shalt  }
0x74: {  	_ =	shalt  }
0x75: {  	_ =	shalt  }
0x76: {  	_ =	shalt  }
0x77: {  	_ =	shalt  }
0x78: {  	_ =	shalt  }
0x79: {  	_ =	shalt  }
0x7a: {  	_ =	shalt  }
0x7b: {  	_ =	shalt  }
0x7c: {  	_ =	shalt  }
0x7d: {  	_ =	shalt  }
0x7e: {  	_ =	shalt  }
0x7f: {  	_ =	shalt  }
0x80: {  	_ =	shalt  }
0x81: {  	_ =	shalt  }
0x82: {  	_ =	shalt  }
0x83: {  	_ =	shalt  }
0x84: {  	_ =	shalt  }
0x85: {  	_ =	shalt  }
0x86: {  	_ =	shalt  }
0x87: {  	_ =	shalt  }
.Lfunc_end0:
.L_simem_size_0:
called_computation_lowered:
.L_overlay_start_0:
0x88: {  	s2 =	sld [smem:$0x3FD9]  }
0x89: {  	s3 =	sld [smem:$0x3FFE];
	_ =	sdelay $0x1  }
0x8a: {  	s1 =	srdreg.scid  }
0x8b: {  	s0 =	sand.u32 $0x1, s1  }
0x8c: {  	s18 =	sshll.u32 s0, $0xA;
	s2 =	sadd.s32 s3, s2  }
0x8d: {  	s2 =	sadd.s32 s2, s18  }
0x8e: {  	[smem:$0x3FC6] =	sst s2  }
0x8f: {  	_ = 	snop  }
0x90: {  	s2 =	sld [smem:$0x3FC9]  }
0x91: {  	s19 =	sld [smem:$0x3FC8]  }
0x92: {  	s4 =	sld [smem:$0x3FD0];
	(tm) =	ssettm $0x1  }
0x93: {  	s5 =	sld [smem:$0x3FFB];
	_ =	sdelay $0x3  }
0x94: {  	_ =	strace s5  }
0x95: {  	s5 =	sld [smem:$0x3FFC];
	_ =	sdelay $0x3  }
0x96: {  	_ =	strace s5  }
0x97: {  	s5 =	sld [smem:$0x3FFD];
	_ =	sdelay $0x3  }
0x98: {  	_ =	strace s5  }
0x99: {  	_ =	strace $0x8FFFFFFF  }
0x9a: {  	s20 =	sld [smem:$0x3FDB];
	_ =	sdelay $0x1  }
0x9b: {  	s6 =	simm.s32 $_scs_section_size  }
0x9c: {  	s7 =	simm.s32 $_size__tile_overlayer_lowered;
	s8 =	simm.s32 $_tile_overlayer_lowered  }
0x9d: {  	s23 =	simm.s32 $0x1BFF;
	s22 =	sshll.u32 s8, $0x1;
	s5 =	sadd.s32 s6, s20  }
0x9e: {  	s9 =	simm.s32 $0x0;
	s21 =	sshll.u32 s7, $0x1;
	s7 =	sadd.s32 s22, s5  }
0x9f: {  	[timem:s9], [sflag:s23] =	dma.local [hbm:s7], s21  }
0xa0: {  	_ =	swait.ge [sflag:s23], s21  }
0xa1: {  	s6 =	ssub.s32 $0x0, s21;
	[sflag:s23] =	ssyncset.done $0x0  }
0xa2: {  	[sflag:s23] =	ssyncadd.s32 s6;
	_ =	sdelay $0x1  }
0xa3: {  	s24 =	simm.s32 $0x1B8B  }
0xa4: {  	_ =	swait.ge [sflag:s24], $0x1  }
0xa5: {  	[sflag:s24] =	ssyncset.done $0x0  }
0xa6: {  	s25 =	simm.s32 $0x1B8E;
	[sflag:s24] =	ssyncadd.s32 $0xFFFFFFFF  }
0xa7: {  	s26 =	simm.s32 $execute0_lowered;
	[smem:$0x3FD2] =	sst s25  }
0xa8: {  	s6 =	sshll.u32 s26, $0x1;
	_ =	strace $0x80000046;
	[dreg:$0x1] =	wrdreg $0xFFFFFFFF  }
0xa9: {  	s28 =	simm.s32 $_size_execute0_lowered;
	s5 =	sadd.s32 s5, s6;
	[dreg:$0x0] =	wrdreg $0x0  }
0xaa: {  	s6 =	sshll.u32 s28, $0x1;
	[dreg:$0x2] =	wrdreg s5  }
0xab: {  	[dreg:$0x3] =	wrdreg s6  }
0xac: {  	[dreg:$0x4] =	wrdreg $0xC0  }
0xad: {  	_ =	task [dreg:s9], $0x5FFFF  }
0xae: {  	[dreg:$0x1] =	wrdreg $0xFFFFFFFF  }
0xaf: {  	[dreg:$0x0] =	wrdreg $0x60  }
0xb0: {  	[dreg:$0x2] =	wrdreg s2  }
0xb1: {  	[dreg:$0x3] =	wrdreg s19  }
0xb2: {  	[dreg:$0x4] =	wrdreg s4  }
0xb3: {  	[dreg:$0x5] =	wrdreg $0x9  }
0xb4: {  	_ =	task.clear_ibuf [dreg:s9], $0x6FFFF;
	_ =	strace $0x90000046  }
0xb5: {  	s29 =	simm.s32 $0x9;
	_ =	strace $0x80000051  }
0xb6: {  	_ =	swait.ge [sflag:s29], $0x1  }
0xb7: {  	[sflag:s29] =	ssyncadd.s32 $0xFFFFFFFF  }
0xb8: {  	_ =	strace $0x90000051  }
0xb9: {  	_ =	sfence  }
0xba: {  	s30 =	sld [smem:$0x0];
	_ =	sdelay $0x2  }
0xbb: {  	s31 =	sshll.u32 s1, $0xD;
	s1 =	sshrl.u32 s1, $0x2  }
0xbc: {  	s3 =	sand.u32 $0x4000, s31;
	s1 =	sadd.s32 s1, s30  }
0xbd: {  	s0 =	sor.u32 s3, s0;
	s1 =	sshll.u32 s1, $0x11  }
0xbe: {  	s0 =	sor.u32 s1, s0  }
0xbf: {  	s0 =	sadd.s32 $0x8F2B, s0  }
0xc0: {  	[sflag:s0] =	ssyncadd.remote.s32 $0x1  }
0xc1: {  	_ =	sfence.sel $0xFFFF  }
0xc2: {  	[dreg:$0x0] =	wrdreg $0xFFFFFFFF;
	(pc) =	sbr.abs _section_cstart, $3  }
0xc3: {  	[dreg:$0x1] =	wrdreg $0xFFFFFFFF  }
0xc4: {  	_ =	task.clear_ibuf [dreg:s9], $0x2FFFF;
	_ =	strace $0x9FFFFFFF  }
0xc5: {  	(tm) =	ssettm $0x7FFFFFFF  }
tec
execute0_lowered:
.L_overlay_start_1:
0x0: {  	(tag) =	ssettag $0x1  }
0x1: {  	s1 =	rddreg [dreg:$0x0];
	s0 =	srdreg.scid  }
0x2: {  	s2 =	rddreg [dreg:$0x1];
	s0 =	sand.u32 $0x1, s0  }
0x3: {  	s6 =	stileid.u32;
	s4 =	ssub.s32 $0x2, s0;
	s0 =	sshll.u32 s0, $0x4  }
0x4: {  	s3 =	rddreg [dreg:$0x2];
	s0 =	sor.u32 s6, s0  }
0x5: {  	s5 =	simm.s32 $0x0;
	s26 =	sshrl.u32 s4, $0x1;
	s28 =	sshll.u32 s0, $0xF  }
0x6: {  	[smem:$0x7FF] =	sst s5;
	s4 =	ssub.s32 s4, s26;
	s5 =	sadd.s32 s2, s28  }
0x7: {  	_ =	strace $0x80000047;
	s4 =	smax.u32 s4, $0x1;
	[dreg:$0x5] =	wrdreg s5  }
0x8: {  	s29 =	sadd.s32 s1, s28;
	[dreg:$0x6] =	wrdreg s4  }
0x9: {  	s30 =	sadd.s32 $0x100000, s29;
	[dreg:$0x4] =	wrdreg s29  }
0xa: {  	s10 =	simm.s32 $0x200;
	s31 =	sadd.s32 $0x200000, s29;
	[dreg:$0x7] =	wrdreg s30  }
0xb: {  	s6 =	sshll.u32 s0, $0x6;
	s0 =	sadd.s32 $0x300000, s29;
	[dreg:$0x8] =	wrdreg s31  }
0xc: {  	s11 =	simm.s32 $0x400;
	s20 =	simm.s32 $0x0;
	[dreg:$0x9] =	wrdreg s0  }
.LBB2_1:
0xd: {  	_ =	strace $0x80000048  }
0xe: {  	s4 =	rddreg [dreg:$0x4]  }
0xf: {  	s0 =	simm.s32 $0x0;
	s22 =	simm.s32 $0x1000;
	s21 =	rddreg [dreg:$0x7]  }
0x10: {  	[tilespmem:s0], [sflag:$0x1] =	stream.strided.gather [hbm4b:s4+s10], $0x1000, s11, s10, $0x200038;
	[tilespmem:$0x12000] =	vst v63  }
0x11: {  	s24 =	simm.s32 $0x2000;
	s26 =	simm.s32 $0x3000;
	s23 =	rddreg [dreg:$0x8]  }
0x12: {  	[tilespmem:s22], [sflag:$0x1] =	stream.strided.gather [hbm4b:s21+s10], $0x1000, s11, s10, $0x200038;
	[tilespmem:$0x12000] =	vst v63  }
0x13: {  	s31 =	simm.s32 $0x8000;
	s30 =	simm.s32 $0x0;
	s25 =	rddreg [dreg:$0x9]  }
0x14: {  	[tilespmem:s24], [sflag:$0x1] =	stream.strided.gather [hbm4b:s23+s10], $0x1000, s11, s10, $0x200038;
	[tilespmem:$0x12000] =	vst v63  }
0x15: {  	s28 =	simm.s32 $0x0;
	s29 =	rddreg [dreg:$0x5];
	s21 =	simm.s32 $0x0  }
0x16: {  	[tilespmem:s26], [sflag:$0x1] =	stream.strided.gather [hbm4b:s25+s10], $0x1000, s11, s10, $0x200038;
	[tilespmem:$0x12000] =	vst v63  }
0x17: {  	s22 =	simm.s32 $0x0;
	s23 =	simm.s32 $0x0;
	s24 =	simm.s32 $0x1  }
0x18: {  	[tilespmem:s31], [sflag:$0x3] =	stream.strided.gather [hbm4b:s29+s10], $0x1000, s11, s10, $0x200038;
	[tilespmem:$0x12000] =	vst v63  }
0x19: {  	s25 =	simm.s32 $0x0;
	s26 =	simm.s32 $0x1;
	_ =	strace $0x90000048  }
.LBB2_2:
0x1a: {  	s29 =	sadd.s32 $0x1, s30  }
0x1b: {  	p0 =	seq.s32 s29, $0x40  }
0x1c: {  	s29 =	simm.s32 @p0 $0x0;
	p0 =	seq.s32 s28, $0x3F  }
0x1d: {  	p1 =	seq.s32 @!p0 s30, s29  }
0x1e: {  	p2 =	por p1, p0  }
0x1f: {  	s0 =	sadd.s32 @!p2 s6, s29  }
0x20: {  	s4 =	sshll.u32 @!p2 s29, $0x9;
	s0 =	sshll.u32 @!p2 s0, $0xC  }
0x21: {  	s4 =	sand.u32 @!p2 $0x200, s4;
	s0 =	sand.u32 @!p2 $0xFFFFE000, s0  }
0x22: {  	_ =	strace @!p2 $0x80000049;
	s5 =	sand.u32 @!p2 $0x1, s26;
	s0 =	sor.u32 @!p2 s4, s0  }
0x23: {  	s9 =	simm.s32 @!p2 $0x200;
	s12 =	simm.s32 @!p2 $0x400;
	s0 =	sshrl.u32 @!p2 s0, $0x3  }
0x24: {  	s4 =	sadd.s32 @!p2 $0x1, s5;
	s5 =	sshll.u32 @!p2 s5, $0xE;
	s8 =	sadd.s32 @!p2 s1, s0  }
0x25: {  	[tilespmem:s5], [sflag:s4] =	stream.strided.gather @!p2 [hbm4b:s8+s9], $0x1000, s12, s9, $0x200038;
	[tilespmem:$0x12000] =	vst v63  }
0x26: {  	s14 =	sor.u32 @!p2 $0x1000, s5;
	s13 =	sadd.s32 @!p2 $0x100000, s8  }
0x27: {  	[tilespmem:s14], [sflag:s4] =	stream.strided.gather @!p2 [hbm4b:s13+s9], $0x1000, s12, s9, $0x200038;
	[tilespmem:$0x12000] =	vst v63  }
0x28: {  	s13 =	sadd.s32 @!p2 $0x200000, s8;
	s14 =	sor.u32 @!p2 $0x2000, s5  }
0x29: {  	[tilespmem:s14], [sflag:s4] =	stream.strided.gather @!p2 [hbm4b:s13+s9], $0x1000, s12, s9, $0x200038;
	[tilespmem:$0x12000] =	vst v63  }
0x2a: {  	s8 =	sadd.s32 @!p2 $0x300000, s8;
	s5 =	sor.u32 @!p2 $0x3000, s5  }
0x2b: {  	[tilespmem:s5], [sflag:s4] =	stream.strided.gather @!p2 [hbm4b:s8+s9], $0x1000, s12, s9, $0x200038;
	[tilespmem:$0x12000] =	vst v63  }
0x2c: {  	s4 =	sand.u32 @!p2 $0x1, s24  }
0x2d: {  	s0 =	sadd.s32 @!p2 s2, s0;
	_ =	strace @!p2 $0x90000049;
	s5 =	sshll.u32 @!p2 s4, $0xC  }
0x2e: {  	s4 =	sadd.s32 @!p2 $0x3, s4;
	_ =	strace @!p2 $0x8000004A;
	s5 =	sor.u32 @!p2 $0x8000, s5  }
0x2f: {  	[tilespmem:s5], [sflag:s4] =	stream.strided.gather @!p2 [hbm4b:s0+s9], $0x1000, s12, s9, $0x200038;
	[tilespmem:$0x12000] =	vst v63  }
0x30: {  	s12 =	sand.u32 $0x1, s25;
	_ =	strace @!p2 $0x9000004A  }
0x31: {  	s14 =	sadd.s32 $0x1, s12;
	_ =	strace $0x8000004B  }
0x32: {  	s7 =	smov.u32 s26;
	s15 =	sand.u32 $0x1, s23;
	_ =	swait.ge [sflag:s14], $0x4000  }
0x33: {  	s31 =	simm.s32 $0x0;
	p1 =	por !p1, p0;
	[sflag:s14] =	ssyncset.done $0x0  }
0x34: {  	s17 =	sadd.s32 $0x3, s15;
	s31 =	simm.s32 @p1 $0x1;
	[sflag:s14] =	ssyncadd.s32 $0xFFFFC000  }
0x35: {  	s19 =	sshll.u32 s15, $0xC;
	s31 =	simm.s32 @p0 $0x0;
	_ =	strace $0x9000004B  }
0x36: {  	s8 =	simm.s32 $0x0;
	s5 =	sadd.s32 @!p2 $0x1, s26;
	_ =	strace $0x8000004C  }
0x37: {  	s4 =	sadd.s32 s6, s30;
	s26 =	smov.u32 @p1 s5;
	_ =	swait.ge [sflag:s17], $0x1000  }
0x38: {  	s5 =	sand.u32 $0x1, s22;
	s18 =	sshll.u32 s12, $0xE;
	[sflag:s17] =	ssyncset.done $0x0  }
0x39: {  	s26 =	smov.u32 @p0 s7;
	s0 =	sshll.u32 s5, $0xE;
	[sflag:s17] =	ssyncadd.s32 $0xFFFFF000  }
0x3a: {  	s13 =	sor.u32 $0xA000, s0;
	s16 =	sadd.s32 $0xC000, s0;
	_ =	strace $0x9000004C  }
0x3b: {  	s17 =	sor.u32 $0x2000, s18;
	s18 =	sor.u32 $0x8040, s19;
	_ =	strace $0x8000004D  }
.LBB2_3:
0x3c: {  	v0 =	vld [tilespmem:s18+$0x30]  }
0x3d: {  	v1 =	vld [tilespmem:s17+$0xFFFFE070]  }
0x3e: {  	v2 =	vld [tilespmem:s17+$0xFFFFE000]  }
0x3f: {  	v3 =	vld [tilespmem:s18+$0xFFFFFFD0]  }
0x40: {  	v4 =	vld [tilespmem:s17+$0xFFFFE010]  }
0x41: {  	v5 =	vld [tilespmem:s18+$0xFFFFFFE0]  }
0x42: {  	v6 =	vld [tilespmem:s17+$0xFFFFE020]  }
0x43: {  	v7 =	vld [tilespmem:s18+$0xFFFFFFF0]  }
0x44: {  	v8 =	vld [tilespmem:s17+$0xFFFFE030]  }
0x45: {  	v9 =	vld [tilespmem:s18+$0x0]  }
0x46: {  	v10 =	vld [tilespmem:s17+$0xFFFFE040]  }
0x47: {  	v11 =	vld [tilespmem:s18+$0x10]  }
0x48: {  	v12 =	vld [tilespmem:s17+$0xFFFFE050]  }
0x49: {  	v13 =	vld [tilespmem:s18+$0x20];
	s7 =	sadd.s32 $0x200, s18  }
0x4a: {  	s12 =	sadd.s32 $0x200, s17;
	v18 =	vld [tilespmem:s7+$0x30]  }
0x4b: {  	v19 =	vld [tilespmem:s12+$0xFFFFE000]  }
0x4c: {  	v20 =	vld [tilespmem:s7+$0xFFFFFFD0];
	v1 =	vadd.f32 v1, v0  }
0x4d: {  	v21 =	vld [tilespmem:s12+$0xFFFFE010]  }
0x4e: {  	[tilespmem:s16+$0xFFFFE070] =	vst v1;
	v1 =	vadd.f32 v4, v3;
	v4 =	vld [tilespmem:s17+$0xFFFFE060]  }
0x4f: {  	v15 =	vadd.f32 v6, v5;
	v14 =	vld [tilespmem:s17+$0xFFFFF070]  }
0x50: {  	v6 =	vld [tilespmem:s18+$0xFFFFFFC0];
	[tilespmem:s16+$0xFFFFE010] =	vst v1;
	v1 =	vadd.f32 v8, v7  }
0x51: {  	[tilespmem:s16+$0xFFFFE020] =	vst v15;
	v8 =	vadd.f32 v10, v9;
	v10 =	vld [tilespmem:s17+$0xFFFFF010]  }
0x52: {  	[tilespmem:s16+$0xFFFFE030] =	vst v1;
	v1 =	vadd.f32 v12, v11;
	v12 =	vld [tilespmem:s17+$0xFFFFF020]  }
0x53: {  	[tilespmem:s16+$0xFFFFE040] =	vst v8;
	v8 =	vld [tilespmem:s17+$0xFFFFF030];
	v4 =	vadd.f32 v4, v13  }
0x54: {  	v14 =	vadd.f32 v14, v0;
	[tilespmem:s16+$0xFFFFE050] =	vst v1;
	v1 =	vld [tilespmem:s17+$0xFFFFF040]  }
0x55: {  	v2 =	vadd.f32 v2, v6;
	v15 =	vld [tilespmem:s17+$0xFFFFF050];
	[tilespmem:s16+$0xFFFFE060] =	vst v4  }
0x56: {  	[tilespmem:s16+$0xFFFFF070] =	vst v14;
	v4 =	vadd.f32 v10, v3;
	v10 =	vld [tilespmem:s17+$0xFFFFF060]  }
0x57: {  	[tilespmem:s16+$0xFFFFE000] =	vst v2;
	v14 =	vld [tilespmem:s17+$0x70];
	v2 =	vadd.f32 v12, v5  }
0x58: {  	v12 =	vld [tilespmem:s17+$0xFFFFF000];
	[tilespmem:s16+$0xFFFFF010] =	vst v4;
	v4 =	vadd.f32 v8, v7  }
0x59: {  	v8 =	vld [tilespmem:s17+$0x10];
	[tilespmem:s16+$0xFFFFF020] =	vst v2;
	v1 =	vadd.f32 v1, v9  }
0x5a: {  	v2 =	vld [tilespmem:s17+$0x20];
	[tilespmem:s16+$0xFFFFF030] =	vst v4;
	v4 =	vadd.f32 v15, v11  }
0x5b: {  	v15 =	vld [tilespmem:s17+$0x30];
	[tilespmem:s16+$0xFFFFF040] =	vst v1;
	v1 =	vadd.f32 v10, v13  }
0x5c: {  	v10 =	vadd.f32 v14, v0;
	v14 =	vld [tilespmem:s17+$0x40];
	[tilespmem:s16+$0xFFFFF050] =	vst v4  }
0x5d: {  	v4 =	vadd.f32 v12, v6;
	v12 =	vld [tilespmem:s17+$0x50];
	[tilespmem:s16+$0xFFFFF060] =	vst v1  }
0x5e: {  	[tilespmem:s16+$0x70] =	vst v10;
	v1 =	vadd.f32 v8, v3;
	v8 =	vld [tilespmem:s17+$0x60]  }
0x5f: {  	[tilespmem:s16+$0xFFFFF000] =	vst v4;
	v10 =	vld [tilespmem:s17+$0x1070];
	v2 =	vadd.f32 v2, v5  }
0x60: {  	v4 =	vld [tilespmem:s17+$0x0];
	[tilespmem:s16+$0x10] =	vst v1;
	v1 =	vadd.f32 v15, v7  }
0x61: {  	v15 =	vld [tilespmem:s17+$0x1010];
	[tilespmem:s16+$0x20] =	vst v2;
	v2 =	vadd.f32 v14, v9  }
0x62: {  	v14 =	vld [tilespmem:s17+$0x1020];
	[tilespmem:s16+$0x30] =	vst v1  }
0x63: {  	v1 =	vadd.f32 v12, v11;
	v12 =	vld [tilespmem:s17+$0x1030];
	[tilespmem:s16+$0x40] =	vst v2  }
0x64: {  	v2 =	vadd.f32 v8, v13;
	v8 =	vld [tilespmem:s17+$0x1040]  }
0x65: {  	[tilespmem:s16+$0x50] =	vst v1;
	v1 =	vld [tilespmem:s7+$0xFFFFFFE0]  }
0x66: {  	[tilespmem:s16+$0x60] =	vst v2;
	v2 =	vld [tilespmem:s12+$0xFFFFE070]  }
0x67: {  	v0 =	vadd.f32 v10, v0;
	v10 =	vld [tilespmem:s12+$0xFFFFE020]  }
0x68: {  	v16 =	vld [tilespmem:s17+$0x1050]  }
0x69: {  	v17 =	vld [tilespmem:s17+$0x1060];
	v3 =	vadd.f32 v15, v3  }
0x6a: {  	[tilespmem:s16+$0x1070] =	vst v0;
	v0 =	vadd.f32 v4, v6;
	v15 =	vld [tilespmem:s12+$0xFFFFE030]  }
0x6b: {  	[tilespmem:s16+$0x1010] =	vst v3;
	v3 =	vld [tilespmem:s7+$0x0];
	v22 =	vadd.f32 v2, v18  }
0x6c: {  	s9 =	sadd.s32 $0x200, s16;
	[tilespmem:s16+$0x0] =	vst v0;
	v0 =	vadd.f32 v14, v5;
	v4 =	vadd.f32 v12, v7;
	v7 =	vld [tilespmem:s12+$0xFFFFE040]  }
0x6d: {  	v12 =	vld [tilespmem:s12+$0xFFFFE060];
	[tilespmem:s9+$0xFFFFE070] =	vst v22  }
0x6e: {  	v10 =	vadd.f32 v10, v1;
	[tilespmem:s16+$0x1020] =	vst v0;
	v14 =	vld [tilespmem:s12+$0xFFFFF070]  }
0x6f: {  	v2 =	vld [tilespmem:s7+$0xFFFFFFF0];
	v0 =	vadd.f32 v8, v9;
	[tilespmem:s16+$0x1030] =	vst v4  }
0x70: {  	v5 =	vadd.f32 v16, v11;
	v4 =	vld [tilespmem:s7+$0x10];
	[tilespmem:s9+$0xFFFFE020] =	vst v10  }
0x71: {  	v8 =	vld [tilespmem:s12+$0xFFFFE050];
	[tilespmem:s16+$0x1040] =	vst v0;
	v0 =	vadd.f32 v17, v13  }
0x72: {  	v11 =	vadd.f32 v21, v20;
	[tilespmem:s16+$0x1050] =	vst v5;
	v5 =	vld [tilespmem:s7+$0x20]  }
0x73: {  	[tilespmem:s16+$0x1060] =	vst v0;
	v0 =	vld [tilespmem:s7+$0xFFFFFFC0];
	v9 =	vadd.f32 v14, v18  }
0x74: {  	[tilespmem:s9+$0xFFFFE010] =	vst v11;
	v7 =	vadd.f32 v7, v3  }
0x75: {  	v10 =	vld [tilespmem:s12+$0xFFFFF010];
	[tilespmem:s9+$0xFFFFF070] =	vst v9;
	v9 =	vadd.f32 v15, v2  }
0x76: {  	v8 =	vadd.f32 v8, v4;
	[tilespmem:s9+$0xFFFFE040] =	vst v7;
	v11 =	vld [tilespmem:s12+$0x70]  }
0x77: {  	v12 =	vadd.f32 v12, v5;
	[tilespmem:s9+$0xFFFFE030] =	vst v9;
	v9 =	vld [tilespmem:s12+$0xFFFFF020]  }
0x78: {  	[tilespmem:s9+$0xFFFFE050] =	vst v8;
	v8 =	vadd.f32 v19, v0;
	v7 =	vld [tilespmem:s12+$0xFFFFF030]  }
0x79: {  	v13 =	vld [tilespmem:s12+$0xFFFFF040];
	[tilespmem:s9+$0xFFFFE060] =	vst v12  }
0x7a: {  	v14 =	vld [tilespmem:s12+$0xFFFFF050];
	[tilespmem:s9+$0xFFFFE000] =	vst v8;
	v8 =	vadd.f32 v10, v20  }
0x7b: {  	v10 =	vld [tilespmem:s12+$0xFFFFF060];
	v11 =	vadd.f32 v11, v18  }
0x7c: {  	v12 =	vld [tilespmem:s12+$0xFFFFF000];
	[tilespmem:s9+$0xFFFFF010] =	vst v8;
	v9 =	vadd.f32 v9, v1  }
0x7d: {  	[tilespmem:s9+$0x70] =	vst v11;
	v7 =	vadd.f32 v7, v2;
	v11 =	vld [tilespmem:s12+$0x10]  }
0x7e: {  	v8 =	vld [tilespmem:s12+$0x1070];
	[tilespmem:s9+$0xFFFFF020] =	vst v9;
	v9 =	vadd.f32 v13, v3  }
0x7f: {  	v13 =	vld [tilespmem:s12+$0x20];
	[tilespmem:s9+$0xFFFFF030] =	vst v7;
	v7 =	vadd.f32 v14, v4  }
0x80: {  	v14 =	vld [tilespmem:s12+$0x30];
	[tilespmem:s9+$0xFFFFF040] =	vst v9;
	v9 =	vadd.f32 v10, v5  }
0x81: {  	v10 =	vadd.f32 v12, v0;
	v12 =	vld [tilespmem:s12+$0x40];
	[tilespmem:s9+$0xFFFFF050] =	vst v7  }
0x82: {  	v7 =	vld [tilespmem:s12+$0x50];
	[tilespmem:s9+$0xFFFFF060] =	vst v9;
	v9 =	vadd.f32 v11, v20  }
0x83: {  	[tilespmem:s9+$0xFFFFF000] =	vst v10;
	v8 =	vadd.f32 v8, v18;
	v11 =	vld [tilespmem:s12+$0x60]  }
0x84: {  	v15 =	vld [tilespmem:s12+$0x0];
	v10 =	vadd.f32 v13, v1;
	[tilespmem:s9+$0x10] =	vst v9  }
0x85: {  	v13 =	vld [tilespmem:s17+$0x1000];
	[tilespmem:s9+$0x1070] =	vst v8;
	v8 =	vadd.f32 v14, v2  }
0x86: {  	v14 =	vld [tilespmem:s12+$0x1010];
	[tilespmem:s9+$0x20] =	vst v10;
	v9 =	vadd.f32 v12, v3  }
0x87: {  	v10 =	vld [tilespmem:s12+$0x1020];
	[tilespmem:s9+$0x30] =	vst v8;
	v8 =	vadd.f32 v7, v4  }
0x88: {  	v7 =	vld [tilespmem:s12+$0x1030];
	[tilespmem:s9+$0x40] =	vst v9;
	v11 =	vadd.f32 v11, v5  }
0x89: {  	v15 =	vadd.f32 v15, v0;
	v9 =	vld [tilespmem:s12+$0x1040];
	[tilespmem:s9+$0x50] =	vst v8  }
0x8a: {  	s14 =	simm.s32 $0x80;
	v12 =	vadd.f32 v13, v6;
	v8 =	vld [tilespmem:s12+$0x1050];
	[tilespmem:s9+$0x60] =	vst v11  }
0x8b: {  	s15 =	smov.u32 s16;
	s19 =	sadd.s32 $0x200, s7;
	s7 =	smov.u32 s12;
	[tilespmem:s9+$0x0] =	vst v15;
	v6 =	vadd.f32 v14, v20;
	v11 =	vld [tilespmem:s12+$0x1060]  }
.LBB2_4:
0x8c: {  	v13 =	vld [tilespmem:s19+$0x30];
	v1 =	vadd.f32 v10, v1;
	s12 =	sadd.s32 $0x200, s12;
	[tilespmem:s15+$0x1000] =	vst v12;
	s15 =	smov.u32 s9  }
0x8d: {  	s14 =	sadd.s32 $0x80, s14;
	v10 =	vld [tilespmem:s12+$0xFFFFE070];
	[tilespmem:s9+$0x1010] =	vst v6;
	v2 =	vadd.f32 v7, v2  }
0x8e: {  	p1 =	slt.u32 s14, $0x380;
	v7 =	vld [tilespmem:s12+$0xFFFFE000];
	[tilespmem:s9+$0x1020] =	vst v1;
	v1 =	vadd.f32 v9, v3  }
0x8f: {  	v6 =	vld [tilespmem:s19+$0xFFFFFFD0];
	[tilespmem:s9+$0x1030] =	vst v2;
	v2 =	vadd.f32 v8, v4  }
0x90: {  	v3 =	vld [tilespmem:s12+$0xFFFFE010];
	[tilespmem:s9+$0x1040] =	vst v1;
	v4 =	vadd.f32 v11, v5  }
0x91: {  	v1 =	vld [tilespmem:s19+$0xFFFFFFE0];
	[tilespmem:s9+$0x1050] =	vst v2  }
0x92: {  	v5 =	vld [tilespmem:s12+$0xFFFFE020];
	v8 =	vadd.f32 v10, v13;
	[tilespmem:s9+$0x1060] =	vst v4  }
0x93: {  	s9 =	sadd.s32 $0x200, s9;
	v2 =	vld [tilespmem:s19+$0xFFFFFFF0]  }
0x94: {  	v9 =	vld [tilespmem:s12+$0xFFFFE030];
	[tilespmem:s9+$0xFFFFE070] =	vst v8  }
0x95: {  	v4 =	vadd.f32 v3, v6;
	v8 =	vld [tilespmem:s12+$0xFFFFF070]  }
0x96: {  	v3 =	vld [tilespmem:s19+$0x0]  }
0x97: {  	[tilespmem:s9+$0xFFFFE010] =	vst v4;
	v5 =	vadd.f32 v5, v1;
	v10 =	vld [tilespmem:s12+$0xFFFFE040]  }
0x98: {  	v4 =	vld [tilespmem:s19+$0x10]  }
0x99: {  	[tilespmem:s9+$0xFFFFE020] =	vst v5;
	v9 =	vadd.f32 v9, v2;
	v11 =	vld [tilespmem:s12+$0xFFFFE050]  }
0x9a: {  	v5 =	vld [tilespmem:s19+$0x20];
	v8 =	vadd.f32 v8, v13  }
0x9b: {  	[tilespmem:s9+$0xFFFFE030] =	vst v9;
	v9 =	vld [tilespmem:s12+$0xFFFFE060]  }
0x9c: {  	v14 =	vld [tilespmem:s19+$0xFFFFFFC0];
	v10 =	vadd.f32 v10, v3;
	[tilespmem:s9+$0xFFFFF070] =	vst v8  }
0x9d: {  	v8 =	vld [tilespmem:s12+$0x70]  }
0x9e: {  	v12 =	vld [tilespmem:s12+$0xFFFFF010];
	[tilespmem:s9+$0xFFFFE040] =	vst v10;
	v10 =	vadd.f32 v11, v4  }
0x9f: {  	v11 =	vld [tilespmem:s12+$0xFFFFF020]  }
0xa0: {  	v15 =	vld [tilespmem:s12+$0xFFFFF030];
	[tilespmem:s9+$0xFFFFE050] =	vst v10;
	v9 =	vadd.f32 v9, v5  }
0xa1: {  	v7 =	vadd.f32 v7, v14;
	v10 =	vld [tilespmem:s12+$0xFFFFF040]  }
0xa2: {  	v16 =	vld [tilespmem:s12+$0xFFFFF050];
	[tilespmem:s9+$0xFFFFE060] =	vst v9;
	v8 =	vadd.f32 v8, v13  }
0xa3: {  	[tilespmem:s9+$0xFFFFE000] =	vst v7;
	v7 =	vadd.f32 v12, v6;
	v9 =	vld [tilespmem:s12+$0xFFFFF060]  }
0xa4: {  	v12 =	vld [tilespmem:s12+$0xFFFFF000];
	v11 =	vadd.f32 v11, v1;
	[tilespmem:s9+$0x70] =	vst v8  }
0xa5: {  	[tilespmem:s9+$0xFFFFF010] =	vst v7;
	v7 =	vadd.f32 v15, v2;
	v8 =	vld [tilespmem:s12+$0x1070]  }
0xa6: {  	v15 =	vld [tilespmem:s12+$0x10];
	[tilespmem:s9+$0xFFFFF020] =	vst v11;
	v10 =	vadd.f32 v10, v3  }
0xa7: {  	v11 =	vld [tilespmem:s12+$0x20];
	[tilespmem:s9+$0xFFFFF030] =	vst v7;
	v7 =	vadd.f32 v16, v4  }
0xa8: {  	v16 =	vld [tilespmem:s12+$0x30];
	[tilespmem:s9+$0xFFFFF040] =	vst v10;
	v9 =	vadd.f32 v9, v5  }
0xa9: {  	v10 =	vadd.f32 v12, v14;
	v12 =	vld [tilespmem:s12+$0x40];
	[tilespmem:s9+$0xFFFFF050] =	vst v7  }
0xaa: {  	v7 =	vld [tilespmem:s12+$0x50];
	[tilespmem:s9+$0xFFFFF060] =	vst v9;
	v8 =	vadd.f32 v8, v13  }
0xab: {  	[tilespmem:s9+$0xFFFFF000] =	vst v10;
	v9 =	vadd.f32 v15, v6;
	v13 =	vld [tilespmem:s12+$0x60]  }
0xac: {  	v15 =	vld [tilespmem:s12+$0x0];
	v10 =	vadd.f32 v11, v1;
	[tilespmem:s9+$0x1070] =	vst v8  }
0xad: {  	[tilespmem:s9+$0x10] =	vst v9;
	v8 =	vadd.f32 v16, v2;
	v11 =	vld [tilespmem:s7+$0x1000];
	s7 =	smov.u32 s12  }
0xae: {  	v16 =	vld [tilespmem:s12+$0x1010];
	[tilespmem:s9+$0x20] =	vst v10;
	v9 =	vadd.f32 v12, v3  }
.Ltmp0:
0xaf: {  	v10 =	vld [tilespmem:s12+$0x1020];
	[tilespmem:s9+$0x30] =	vst v8;
	v8 =	vadd.f32 v7, v4;
	(pc) =	sbr.rel @p1 .LBB2_4-.Ltmp0, $4  }
0xb0: {  	v7 =	vld [tilespmem:s12+$0x1030];
	[tilespmem:s9+$0x40] =	vst v9;
	v12 =	vadd.f32 v13, v5  }
0xb1: {  	v13 =	vadd.f32 v15, v14;
	v9 =	vld [tilespmem:s12+$0x1040];
	[tilespmem:s9+$0x50] =	vst v8  }
0xb2: {  	v8 =	vld [tilespmem:s12+$0x1050];
	[tilespmem:s9+$0x60] =	vst v12;
	v12 =	vadd.f32 v11, v0;
	v0 =	vmov v14  }
0xb3: {  	s19 =	sadd.s32 $0x200, s19;
	[tilespmem:s9+$0x0] =	vst v13;
	v6 =	vadd.f32 v16, v6;
	v11 =	vld [tilespmem:s12+$0x1060]  }
0xb4: {  	v1 =	vadd.f32 v10, v1;
	[tilespmem:s15+$0x1000] =	vst v12;
	v60 =	vld [tilespmem:s7+$0x1000]  }
0xb5: {  	s8 =	sadd.s32 $0x1, s8;
	[tilespmem:s9+$0x1010] =	vst v6;
	v2 =	vadd.f32 v7, v2  }
0xb6: {  	p1 =	sne.s32 s8, $0x4;
	[tilespmem:s9+$0x1020] =	vst v1;
	v61 =	vadd.f32 v9, v3  }
.Ltmp1:
0xb7: {  	[tilespmem:s9+$0x1030] =	vst v2;
	v62 =	vadd.f32 v8, v4;
	(pc) =	sbr.rel @p1 .LBB2_3-.Ltmp1, $4  }
0xb8: {  	[tilespmem:s9+$0x1040] =	vst v61;
	v63 =	vadd.f32 v11, v5  }
0xb9: {  	[tilespmem:s9+$0x1050] =	vst v62;
	v0 =	vadd.f32 v60, v0  }
0xba: {  	[tilespmem:s9+$0x1060] =	vst v63  }
0xbb: {  	s16 =	sadd.s32 $0x80, s16;
	s17 =	sadd.s32 $0x80, s17;
	s18 =	sadd.s32 $0x80, s18;
	[tilespmem:s9+$0x1000] =	vst v0  }
0xbc: {  	p1 =	sne.s32 s30, s29  }
0xbd: {  	p0 =	por p0, p1  }
0xbe: {  	s4 =	sshll.u32 @p0 s4, $0xC;
	s7 =	sshll.u32 @p0 s30, $0x9  }
0xbf: {  	s4 =	sand.u32 @p0 $0xFFFFE000, s4;
	s7 =	sand.u32 @p0 $0x200, s7  }
0xc0: {  	_ =	strace $0x9000004D;
	s4 =	sor.u32 @p0 s7, s4  }
0xc1: {  	_ =	strace @p0 $0x8000004E;
	s5 =	sadd.s32 @p0 $0x5, s5;
	s4 =	sshrl.u32 @p0 s4, $0x3  }
0xc2: {  	s8 =	simm.s32 @p0 $0x400;
	s7 =	simm.s32 @p0 $0x200;
	s4 =	sadd.s32 @p0 s3, s4  }
0xc3: {  	[hbm4b:s4+s7] =	stream.strided.scatter @p0 [tilespmem:s13], [sflag:s5], $0x1000, s8, s7, $0x200038;
	[tilespmem:$0x12000] =	vst v63  }
0xc4: {  	s9 =	sadd.s32 @p0 $0xB000, s0;
	s12 =	sadd.s32 @p0 $0x100000, s4  }
0xc5: {  	[hbm4b:s12+s7] =	stream.strided.scatter @p0 [tilespmem:s9], [sflag:s5], $0x1000, s8, s7, $0x200038;
	[tilespmem:$0x12000] =	vst v63  }
0xc6: {  	s9 =	sadd.s32 @p0 $0xC000, s0;
	s12 =	sadd.s32 @p0 $0x200000, s4  }
0xc7: {  	[hbm4b:s12+s7] =	stream.strided.scatter @p0 [tilespmem:s9], [sflag:s5], $0x1000, s8, s7, $0x200038;
	[tilespmem:$0x12000] =	vst v63  }
0xc8: {  	p1 =	seq.s32 s28, $0x0;
	s0 =	sadd.s32 @p0 $0xD000, s0;
	s4 =	sadd.s32 @p0 $0x300000, s4  }
0xc9: {  	[hbm4b:s4+s7] =	stream.strided.scatter @p0 [tilespmem:s0], [sflag:s5], $0x1000, s8, s7, $0x200038;
	[tilespmem:$0x12000] =	vst v63  }
0xca: {  	s0 =	sand.u32 @!p1 $0x1, s21;
	_ =	strace @p0 $0x9000004E  }
0xcb: {  	s0 =	sadd.s32 @!p1 $0x5, s0;
	_ =	strace @!p1 $0x8000004F  }
0xcc: {  	s4 =	simm.s32 $0x1;
	_ =	swait.ge @!p1 [sflag:s0], $0x4000  }
0xcd: {  	s4 =	simm.s32 @!p0 $0x0;
	p0 =	sne.s32 s28, $0x0;
	[sflag:s0] =	ssyncset.done @!p1 $0x0  }
0xce: {  	s28 =	sadd.s32 $0x1, s28;
	[sflag:s0] =	ssyncadd.s32 @!p1 $0xFFFFC000;
	s0 =	simm.s32 $0x1  }
0xcf: {  	s0 =	simm.s32 @!p0 $0x0;
	p0 =	sne.s32 s28, $0x40  }
.Ltmp2:
0xd0: {  	_ = 	snop;
	(pc) =	sbr.rel @p0 .LBB2_2-.Ltmp2, $4  }
0xd1: {  	_ = 	snop  }
0xd2: {  	s24 =	sadd.s32 s24, s31  }
0xd3: {  	s30 =	smov.u32 s29;
	s22 =	sadd.s32 s4, s22;
	s25 =	sadd.s32 s4, s25  }
0xd4: {  	s23 =	sadd.s32 s4, s23;
	_ =	strace @!p1 $0x9000004F;
	s21 =	sadd.s32 s0, s21  }
0xd5: {  	_ =	strace $0x80000050;
	s0 =	simm.s32 $0x6  }
0xd6: {  	_ =	swait.ge [sflag:s0], $0x4000  }
0xd7: {  	s20 =	sadd.s32 $0x1, s20;
	s31 =	rddreg [dreg:$0x6]  }
0xd8: {  	p0 =	sne.s32 s20, s31  }
.Ltmp3:
0xd9: {  	_ = 	snop;
	(pc) =	sbr.rel @p0 .LBB2_1-.Ltmp3, $4  }
0xda: {  	_ = 	snop  }
0xdb: {  	[sflag:s0] =	ssyncset.done $0x0  }
0xdc: {  	[sflag:s0] =	ssyncadd.s32 $0xFFFFC000  }
0xdd: {  	_ =	strace $0x90000050  }
0xde: {  	_ =	sfence.sel $0x180000  }
0xdf: {  	[bflag:$0x0] =	sbarrier.arrive $0xFFFF  }
0xe0: {  	_ =	strace $0x90000047  }
0xe1: {  	s0 =	stileid.u32;
	[bflag:$0x2] =	sbarrier.arrive $0xFFFF  }
0xe2: {  	p0 =	sne.s32 s0, $0x0;
	s0 =	rddreg [dreg:$0x3]  }
0xe3: {  	s0 =	sadd.s32 @!p0 $0x100000, s0  }
0xe4: {  	[sflag:s0] =	ssyncadd.tile.s32 @!p0 $0x1;
	_ =	shalt  }
.Lfunc_end2:
_tile_overlayer_lowered:
.L_overlay_start_2:
0xe5: {  	(tag) =	ssettag $0x2  }
0xe6: {  	s0 =	rddreg [dreg:$0x0];
	s2 =	stileid.u32  }
0xe7: {  	s1 =	rddreg [dreg:$0x1];
	p0 =	sne.s32 s2, $0x0  }
0xe8: {  	s3 =	rddreg [dreg:$0x2];
	[bflag:$0x3] =	sbarrier.arrive $0xFFFF;
	s2 =	simm.s32 @!p0 $0x1C01  }
0xe9: {  	[timem:s3], [sflag:s2] =	dma.local @!p0 [hbm:s0], s1  }
0xea: {  	s0 =	simm.s32 @!p0 $0x1  }
0xeb: {  	_ =	swait.ge @!p0 [sflag:s0], s1  }
0xec: {  	s1 =	ssub.s32 @!p0 $0x0, s1;
	[sflag:s0] =	ssyncset.done @!p0 $0x0  }
0xed: {  	[sflag:s0] =	ssyncadd.s32 @!p0 s1  }
0xee: {  	[bflag:$0x3] =	sbarrier.arrive $0xFFFF  }
0xef: {  	_ =	shalt  }

</sc_bundles>
